<compile_context>
chip_gen: v7x
topology: tpu7x:2x2x1
jax: 0.10.2.dev20260603
libtpu: 0.0.44.dev20260713+nightly
codegen_flags: <defaults>
</compile_context>

<pallas_src>
import dataclasses
import functools

import jax
import jax.numpy as jnp
from jax.experimental import pallas as pl
from jax.experimental.pallas import tpu as pltpu
from jax.experimental.pallas import tpu_sc as plsc

_GATHER_WINDOW = 128
_GATHER_K = 8


def _sc_compiler_params():
    cp = pltpu.CompilerParams(use_tc_tiling_on_sc=False)
    if "needs_layout_passes" in pltpu.CompilerParams.__dataclass_fields__:
        cp = dataclasses.replace(cp, needs_layout_passes=False)
    return cp


def _sc_gather_2d(table, ids2):
    num = ids2.shape[1]
    depth = table.shape[1]
    step_rows = _GATHER_WINDOW * _GATHER_K
    mesh = plsc.VectorSubcoreMesh(core_axis_name="c", subcore_axis_name="s")

    @functools.partial(
        pl.kernel,
        out_type=jax.ShapeDtypeStruct((num, depth), table.dtype),
        mesh=mesh,
        scratch_types=[pltpu.SemaphoreType.DMA],
        compiler_params=_sc_compiler_params(),
    )
    def gather_kernel(table_hbm, ids_hbm, out_hbm, sem):
        def body(i_vmem, o_vmem):
            copies = []
            for j in range(_GATHER_K):
                sl = pl.ds(j * _GATHER_WINDOW, _GATHER_WINDOW)
                copies.append(
                    pltpu.make_async_copy(
                        table_hbm.at[i_vmem.at[0, sl]], o_vmem.at[sl], sem
                    )
                )
            for c in copies:
                c.start()
            for c in copies:
                c.wait()

        pltpu.emit_pipeline(
            body,
            grid=(num // step_rows,),
            in_specs=[
                pl.BlockSpec((1, step_rows), lambda i: (0, i)),
            ],
            out_specs=[
                pl.BlockSpec((step_rows, depth), lambda i: (i, 0)),
            ],
            core_axis_name=("c", "s"),
            dimension_semantics=(pltpu.PARALLEL,),
        )(ids_hbm, out_hbm)

    return gather_kernel(table, ids2)


def _mlp_t(ea_t, emb, w1eT, w1nT, b1c, w2T, b2c, block_cols):
    feat, num = ea_t.shape
    depth = emb.shape[1]
    hid = w2T.shape[0]
    nsteps = num // block_cols

    def body(ea_ref, emb_hbm, w1e_ref, w1n_ref, b1_ref, w2_ref, b2_ref,
             o_ref, buf, sems):
        i = pl.program_id(0)
        slot = jax.lax.rem(i, 2)
        nxt = jax.lax.rem(i + 1, 2)

        def emb_copy(step, b):
            return pltpu.make_async_copy(
                emb_hbm.at[pl.ds(step * block_cols, block_cols), :],
                buf.at[b],
                sems.at[b],
            )

        @pl.when(i == 0)
        def _():
            emb_copy(i, slot).start()

        @pl.when(i + 1 < nsteps)
        def _():
            emb_copy(i + 1, nxt).start()

        emb_copy(i, slot).wait()
        emb_t = jnp.transpose(buf[slot])
        h = jnp.dot(w1e_ref[...], emb_t, preferred_element_type=jnp.float32)
        h = h + jnp.dot(w1n_ref[...], ea_ref[...],
                        preferred_element_type=jnp.float32)
        h = jnp.maximum(h + b1_ref[...], 0.0)
        o_ref[...] = (
            jnp.dot(w2_ref[...], h, preferred_element_type=jnp.float32)
            + b2_ref[...]
        )

    return pl.pallas_call(
        body,
        grid=(nsteps,),
        in_specs=[
            pl.BlockSpec((feat, block_cols), lambda i: (0, i)),
            pl.BlockSpec(memory_space=pl.ANY),
            pl.BlockSpec((hid, depth), lambda i: (0, 0)),
            pl.BlockSpec((hid, feat), lambda i: (0, 0)),
            pl.BlockSpec((hid, 1), lambda i: (0, 0)),
            pl.BlockSpec((hid, hid), lambda i: (0, 0)),
            pl.BlockSpec((hid, 1), lambda i: (0, 0)),
        ],
        out_specs=pl.BlockSpec((hid, block_cols), lambda i: (0, i)),
        out_shape=jax.ShapeDtypeStruct((hid, num), jnp.float32),
        scratch_shapes=[
            pltpu.VMEM((2, block_cols, depth), jnp.float32),
            pltpu.SemaphoreType.DMA((2,)),
        ],
    )(ea_t, emb, w1eT, w1nT, b1c, w2T, b2c)


def kernel(edge_attr, table, W1, b1, W2, b2):
    num = edge_attr.shape[0]
    depth = table.shape[1]
    hid = W1.shape[1]
    ea_t = edge_attr.T
    ids2 = ea_t[0:1, :].astype(jnp.int32)
    emb = _sc_gather_2d(table, ids2)
    w1eT = W1[:depth].T
    w1nT = jnp.concatenate(
        [jnp.zeros((1, hid), W1.dtype), W1[depth:]], axis=0
    ).T
    b1c = b1.reshape(hid, 1)
    b2c = b2.reshape(hid, 1)
    out_t = _mlp_t(ea_t, emb, w1eT, w1nT, b1c, w2T=W2.T, b2c=b2c,
                   block_cols=6400)
    return out_t.T

# --- scband reference (transcript-rebuilt; emitter-appended) ---
"""Pipeline reference for scband-edge-encoder-85487029060209 (READ-ONLY COPY).

The authoritative reference and input builder live on the scoring server;
editing this copy changes nothing except your own understanding.
"""

import jax, jax.numpy as jnp
import numpy as np

NUM_MATERIALS = 100000
MAT_EMB_DIM = 16
NUMERIC_DIM = 15
OUT_DIM = 32
E = 3200000

def setup_inputs(seed: int = 0) -> dict:
    key = jax.random.key(seed)
    k0, k1, k2, k3, k4, k5 = jax.random.split(key, 6)
    # edge_attr: col 0 is material id (integer-valued float in [0, NUM_MATERIALS)), cols 1: are numeric
    edge_attr = jax.random.randint(k0, (E, 1 + NUMERIC_DIM), 0, NUM_MATERIALS).astype(jnp.float32)
    table = jax.random.normal(k1, (NUM_MATERIALS, MAT_EMB_DIM), dtype=jnp.float32)
    in_dim = MAT_EMB_DIM + NUMERIC_DIM
    W1 = jax.random.normal(k2, (in_dim, OUT_DIM), dtype=jnp.float32) / np.sqrt(in_dim)
    b1 = jnp.zeros((OUT_DIM,), dtype=jnp.float32)
    W2 = jax.random.normal(k3, (OUT_DIM, OUT_DIM), dtype=jnp.float32) / np.sqrt(OUT_DIM)
    b2 = jnp.zeros((OUT_DIM,), dtype=jnp.float32)
    return {"edge_attr": edge_attr, "table": table, "W1": W1, "b1": b1, "W2": W2, "b2": b2}

def reference(edge_attr, table, W1, b1, W2, b2):
    mat_id = edge_attr[:, 0].astype(jnp.int32)
    numeric = edge_attr[:, 1:]
    emb = jnp.take(table, mat_id, axis=0)
    feat = jnp.concatenate([emb, numeric], axis=-1)
    h = jax.nn.relu(feat @ W1 + b1)
    out = h @ W2 + b2
    return out

if __name__ == "__main__":
    import jax
    _d = setup_inputs()
    print(jax.jit(kernel)(*tuple(_d.values())))

</pallas_src>

<mosaic_0001>
#map = affine_map<(d0, d1) -> (0, 0)>
module attributes {stable_mosaic.version = 14 : i64} {
  func.func @gather_kernel(%arg0: i32, %arg1: i32, %arg2: memref<100000x16xf32, #tpu.memory_space<hbm>>, %arg3: memref<1x3200000xi32, #tpu.memory_space<hbm>>, %arg4: memref<3200000x16xf32, #tpu.memory_space<hbm>>, %arg5: memref<!tpu.dma_semaphore, #tpu.memory_space<semaphore_mem>>) attributes {dimension_semantics = [#tpu.dimension_semantics<core_parallel>, #tpu.dimension_semantics<subcore_parallel>], iteration_bounds = array<i64: 2, 16>, scalar_prefetch = 0 : i64, scratch_operands = 1 : i64, tpu.core_type = #tpu.core_type<sc_vector_subcore>, window_params = [{transform_indices = #map}, {transform_indices = #map}, {transform_indices = #map}]} {
    %mul3A = arith.constant 1 : i32
    %mul3A_0 = arith.muli %arg1, %mul3A : i32
    %add3A = arith.constant 0 : i32
    %add3A_1 = arith.addi %add3A, %mul3A_0 : i32
    %mul3A_2 = arith.constant 16 : i32
    %mul3A_3 = arith.muli %arg0, %mul3A_2 : i32
    %add3A_4 = arith.addi %add3A_1, %mul3A_3 : i32
    %lt3A = arith.constant 21 : i32
    %lt3A_5 = arith.cmpi slt, %add3A_4, %lt3A : i32
    %jit3A = arith.constant 98 : i32
    %jit3A_6 = arith.constant 97 : i32
    %select_n3A = arith.select %lt3A_5, %jit3A, %jit3A_6 : i32
    %lt3A_7 = arith.constant 21 : i32
    %lt3A_8 = arith.cmpi slt, %add3A_4, %lt3A_7 : i32
    %mul3A_9 = arith.muli %add3A_4, %select_n3A : i32
    %mul3A_10 = arith.constant 97 : i32
    %mul3A_11 = arith.muli %add3A_4, %mul3A_10 : i32
    %add3A_12 = arith.constant 21 : i32
    %add3A_13 = arith.addi %mul3A_11, %add3A_12 : i32
    %select_n3A_14 = arith.select %lt3A_8, %mul3A_9, %add3A_13 : i32
    %mul3A_15 = arith.constant 1 : i32
    %mul3A_16 = arith.muli %mul3A_15, %select_n3A : i32
    "tpu.region"() ({
      %run_scoped3A = memref.alloca() : memref<2x1x1024xi32, #tpu.memory_space<vmem>>
      %run_scoped3A_17 = tpu.sem_alloc : memref<2x!tpu.dma_semaphore, #tpu.memory_space<semaphore_mem>>
      %run_scoped3A_18 = memref.alloca() : memref<2x1024x16xf32, #tpu.memory_space<vmem>>
      %run_scoped3A_19 = tpu.sem_alloc : memref<2x!tpu.dma_semaphore, #tpu.memory_space<semaphore_mem>>
      %gt3A = arith.constant 0 : i32
      %gt3A_20 = arith.cmpi sgt, %mul3A_16, %gt3A : i32
      %convert_element_type3A = arith.extui %gt3A_20 : i1 to i32
      %cond3A = arith.constant 0 : i32
      %cond3A_21 = arith.cmpi ne, %convert_element_type3A, %cond3A : i32
      scf.if %cond3A_21 {
        %mul3A_22 = arith.constant 1 : i32
        %mul3A_23 = arith.muli %mul3A_22, %select_n3A : i32
        %sub3A = arith.constant 1 : i32
        %sub3A_24 = arith.subi %mul3A_23, %sub3A : i32
        %eq3A = arith.constant 0 : i32
        %eq3A_25 = arith.cmpi eq, %sub3A_24, %eq3A : i32
        %add3A_26 = arith.constant 0 : i32
        %add3A_27 = arith.addi %add3A_26, %select_n3A_14 : i32
        %select_n3A_28 = arith.constant true
        %select_n3A_29 = arith.constant 0 : i32
        %select_n3A_30 = arith.constant -1 : i32
        %select_n3A_31 = arith.select %select_n3A_28, %select_n3A_30, %select_n3A_29 : i32
        %eq3A_32 = arith.constant -1 : i32
        %eq3A_33 = arith.cmpi eq, %select_n3A_31, %eq3A_32 : i32
        %sub3A_34 = arith.constant 1 : i32
        %sub3A_35 = arith.subi %select_n3A, %sub3A_34 : i32
        %select_n3A_36 = arith.select %eq3A_33, %sub3A_35, %select_n3A_31 : i32
        %add3A_37 = arith.addi %select_n3A_36, %select_n3A_14 : i32
        %select_n3A_38 = arith.constant true
        %select_n3A_39 = arith.constant 0 : i32
        %select_n3A_40 = arith.constant 1 : i32
        %select_n3A_41 = arith.select %select_n3A_38, %select_n3A_40, %select_n3A_39 : i32
        %eq3A_42 = arith.cmpi eq, %select_n3A_41, %select_n3A : i32
        %select_n3A_43 = arith.constant 0 : i32
        %select_n3A_44 = arith.select %eq3A_42, %select_n3A_43, %select_n3A_41 : i32
        %add3A_45 = arith.addi %select_n3A_44, %select_n3A_14 : i32
        %add3A_46 = arith.constant 1 : i32
        %add3A_47 = arith.addi %select_n3A_44, %add3A_46 : i32
        %select_n3A_48 = arith.constant true
        %select_n3A_49 = arith.select %select_n3A_48, %add3A_47, %select_n3A_44 : i32
        %eq3A_50 = arith.cmpi eq, %select_n3A_49, %select_n3A : i32
        %select_n3A_51 = arith.constant 0 : i32
        %select_n3A_52 = arith.select %eq3A_50, %select_n3A_51, %select_n3A_49 : i32
        %add3A_53 = arith.addi %select_n3A_52, %select_n3A_14 : i32
        "tpu.trace_start"() <{level = 10 : i32, message = "ep_initialize_0"}> : () -> ()
        %rem3A = arith.constant 0 : i32
        %rem3A_54 = arith.constant 2 : i32
        %rem3A_55 = arith.remui %rem3A, %rem3A_54 : i32
        %mul3A_56 = arith.constant 1024 : i32
        %mul3A_57 = arith.muli %mul3A_56, %add3A_27 : i32
        %dma_start3A = arith.constant 0 : i32
        %dma_start3A_58 = arith.constant 0 : i32
        %dma_start3A_59 = tpu.memref_slice %run_scoped3A[%rem3A_55, %dma_start3A, %dma_start3A_58] : memref<2x1x1024xi32, #tpu.memory_space<vmem>> -> memref<1x1x1024xi32, #tpu.memory_space<vmem>>
        %dma_start3A_60 = tpu.memref_squeeze %dma_start3A_59 : memref<1x1x1024xi32, #tpu.memory_space<vmem>> -> memref<1x1024xi32, #tpu.memory_space<vmem>>
        %dma_start3A_61 = arith.constant 0 : i32
        %dma_start3A_62 = tpu.memref_slice %arg3[%dma_start3A_61, %mul3A_57] : memref<1x3200000xi32, #tpu.memory_space<hbm>> -> memref<1x1024xi32, #tpu.memory_space<hbm>>
        %dma_start3A_63 = tpu.memref_slice %run_scoped3A_17[%rem3A_55] : memref<2x!tpu.dma_semaphore, #tpu.memory_space<semaphore_mem>> -> memref<1x!tpu.dma_semaphore, #tpu.memory_space<semaphore_mem>>
        %dma_start3A_64 = tpu.memref_squeeze %dma_start3A_63 : memref<1x!tpu.dma_semaphore, #tpu.memory_space<semaphore_mem>> -> memref<!tpu.dma_semaphore, #tpu.memory_space<semaphore_mem>>
        %dma_start3A_65 = arith.constant 0 : i32
        %dma_start3A_66 = arith.constant 0 : i32
        %dma_start3A_67 = tpu.memref_slice %run_scoped3A[%rem3A_55, %dma_start3A_65, %dma_start3A_66] : memref<2x1x1024xi32, #tpu.memory_space<vmem>> -> memref<1x1x1024xi32, #tpu.memory_space<vmem>>
        %dma_start3A_68 = tpu.memref_squeeze %dma_start3A_67 : memref<1x1x1024xi32, #tpu.memory_space<vmem>> -> memref<1x1024xi32, #tpu.memory_space<vmem>>
        %dma_start3A_69 = arith.constant 0 : i32
        %dma_start3A_70 = tpu.memref_slice %arg3[%dma_start3A_69, %mul3A_57] : memref<1x3200000xi32, #tpu.memory_space<hbm>> -> memref<1x1024xi32, #tpu.memory_space<hbm>>
        tpu.enqueue_dma source(%dma_start3A_70 : memref<1x1024xi32, #tpu.memory_space<hbm>>) target(%dma_start3A_68 : memref<1x1024xi32, #tpu.memory_space<vmem>>) target_semaphore(%dma_start3A_64 : memref<!tpu.dma_semaphore, #tpu.memory_space<semaphore_mem>>)
        %add3A_71 = arith.constant 0 : i32
        %add3A_72 = arith.constant 1 : i32
        %add3A_73 = arith.addi %add3A_71, %add3A_72 : i32
        %select_n3A_74 = arith.constant true
        %select_n3A_75 = arith.constant 0 : i32
        %select_n3A_76 = arith.select %select_n3A_74, %add3A_73, %select_n3A_75 : i32
        %while3A = arith.constant 0 : i32
        %while3A_77 = arith.constant 0 : i32
        %while3A_78 = arith.constant 0 : i32
        %while3A_79 = arith.constant 0 : i32
        %while3A_80 = arith.constant 0 : i32
        "tpu.trace_stop"() : () -> ()
        %while3A_81 = arith.subi %mul3A_16, %while3A : i32
        %while3A_82 = arith.addi %while3A, %while3A_81 : i32
        %while3A_83 = arith.constant 1 : i32
        %while3A_84 = arith.divsi %while3A_81, %while3A_83 : i32
        %while3A_85 = arith.muli %while3A_84, %while3A_83 : i32
        %while3A_86 = arith.addi %while3A, %while3A_85 : i32
        %while3A_87 = arith.constant 1 : i32
        %while3A_88:5 = scf.for %while3A_142 = %while3A to %while3A_86 step %while3A_87 iter_args(%while3A_143 = %select_n3A_76, %while3A_144 = %while3A_77, %while3A_145 = %while3A_78, %while3A_146 = %while3A_79, %while3A_147 = %while3A_80) -> (i32, i32, i32, i32, i32)  : i32 {
          %mul3A_148 = arith.constant 1 : i32
          %mul3A_149 = arith.muli %mul3A_148, %select_n3A : i32
          %eq3A_150 = arith.constant 0 : i32
          %eq3A_151 = arith.cmpi eq, %while3A_142, %eq3A_150 : i32
          %sub3A_152 = arith.constant 1 : i32
          %sub3A_153 = arith.subi %mul3A_149, %sub3A_152 : i32
          %eq3A_154 = arith.cmpi eq, %while3A_142, %sub3A_153 : i32
          %add3A_155 = arith.addi %while3A_147, %select_n3A_14 : i32
          %sub3A_156 = arith.constant 1 : i32
          %sub3A_157 = arith.subi %while3A_147, %sub3A_156 : i32
          %select_n3A_158 = arith.constant true
          %select_n3A_159 = arith.select %select_n3A_158, %sub3A_157, %while3A_147 : i32
          %eq3A_160 = arith.constant -1 : i32
          %eq3A_161 = arith.cmpi eq, %select_n3A_159, %eq3A_160 : i32
          %sub3A_162 = arith.constant 1 : i32
          %sub3A_163 = arith.subi %select_n3A, %sub3A_162 : i32
          %select_n3A_164 = arith.select %eq3A_161, %sub3A_163, %select_n3A_159 : i32
          %add3A_165 = arith.addi %select_n3A_164, %select_n3A_14 : i32
          %add3A_166 = arith.constant 1 : i32
          %add3A_167 = arith.addi %while3A_147, %add3A_166 : i32
          %select_n3A_168 = arith.constant true
          %select_n3A_169 = arith.select %select_n3A_168, %add3A_167, %while3A_147 : i32
          %eq3A_170 = arith.cmpi eq, %select_n3A_169, %select_n3A : i32
          %select_n3A_171 = arith.constant 0 : i32
          %select_n3A_172 = arith.select %eq3A_170, %select_n3A_171, %select_n3A_169 : i32
          %add3A_173 = arith.addi %select_n3A_172, %select_n3A_14 : i32
          %add3A_174 = arith.constant 1 : i32
          %add3A_175 = arith.addi %select_n3A_172, %add3A_174 : i32
          %select_n3A_176 = arith.constant true
          %select_n3A_177 = arith.select %select_n3A_176, %add3A_175, %select_n3A_172 : i32
          %eq3A_178 = arith.cmpi eq, %select_n3A_177, %select_n3A : i32
          %select_n3A_179 = arith.constant 0 : i32
          %select_n3A_180 = arith.select %eq3A_178, %select_n3A_179, %select_n3A_177 : i32
          %add3A_181 = arith.addi %select_n3A_180, %select_n3A_14 : i32
          %ne3A = arith.cmpi ne, %add3A_155, %add3A_173 : i32
          %or3A = arith.constant false
          %or3A_182 = arith.ori %or3A, %ne3A : i1
          %sub3A_183 = arith.constant 2 : i32
          %sub3A_184 = arith.subi %mul3A_149, %sub3A_183 : i32
          %add3A_185 = arith.constant 1 : i32
          %add3A_186 = arith.addi %sub3A_184, %add3A_185 : i32
          %ge3A = arith.cmpi sge, %while3A_142, %add3A_186 : i32
          %not3A = arith.constant true
          %not3A_187 = arith.xori %ge3A, %not3A : i1
          %and3A = arith.andi %or3A_182, %not3A_187 : i1
          %convert_element_type3A_188 = arith.extui %and3A : i1 to i32
          %cond3A_189 = arith.constant 0 : i32
          %cond3A_190 = arith.cmpi ne, %convert_element_type3A_188, %cond3A_189 : i32
          scf.if %cond3A_190 {
            "tpu.trace_start"() <{level = 10 : i32, message = "ep_copy_in"}> : () -> ()
            %rem3A_580 = arith.constant 2 : i32
            %rem3A_581 = arith.remui %while3A_143, %rem3A_580 : i32
            %mul3A_582 = arith.constant 1024 : i32
            %mul3A_583 = arith.muli %mul3A_582, %add3A_173 : i32
            %dma_start3A_584 = arith.constant 0 : i32
            %dma_start3A_585 = arith.constant 0 : i32
            %dma_start3A_586 = tpu.memref_slice %run_scoped3A[%rem3A_581, %dma_start3A_584, %dma_start3A_585] : memref<2x1x1024xi32, #tpu.memory_space<vmem>> -> memref<1x1x1024xi32, #tpu.memory_space<vmem>>
            %dma_start3A_587 = tpu.memref_squeeze %dma_start3A_586 : memref<1x1x1024xi32, #tpu.memory_space<vmem>> -> memref<1x1024xi32, #tpu.memory_space<vmem>>
            %dma_start3A_588 = arith.constant 0 : i32
            %dma_start3A_589 = tpu.memref_slice %arg3[%dma_start3A_588, %mul3A_583] : memref<1x3200000xi32, #tpu.memory_space<hbm>> -> memref<1x1024xi32, #tpu.memory_space<hbm>>
            %dma_start3A_590 = tpu.memref_slice %run_scoped3A_17[%rem3A_581] : memref<2x!tpu.dma_semaphore, #tpu.memory_space<semaphore_mem>> -> memref<1x!tpu.dma_semaphore, #tpu.memory_space<semaphore_mem>>
            %dma_start3A_591 = tpu.memref_squeeze %dma_start3A_590 : memref<1x!tpu.dma_semaphore, #tpu.memory_space<semaphore_mem>> -> memref<!tpu.dma_semaphore, #tpu.memory_space<semaphore_mem>>
            %dma_start3A_592 = arith.constant 0 : i32
            %dma_start3A_593 = arith.constant 0 : i32
            %dma_start3A_594 = tpu.memref_slice %run_scoped3A[%rem3A_581, %dma_start3A_592, %dma_start3A_593] : memref<2x1x1024xi32, #tpu.memory_space<vmem>> -> memref<1x1x1024xi32, #tpu.memory_space<vmem>>
            %dma_start3A_595 = tpu.memref_squeeze %dma_start3A_594 : memref<1x1x1024xi32, #tpu.memory_space<vmem>> -> memref<1x1024xi32, #tpu.memory_space<vmem>>
            %dma_start3A_596 = arith.constant 0 : i32
            %dma_start3A_597 = tpu.memref_slice %arg3[%dma_start3A_596, %mul3A_583] : memref<1x3200000xi32, #tpu.memory_space<hbm>> -> memref<1x1024xi32, #tpu.memory_space<hbm>>
            tpu.enqueue_dma source(%dma_start3A_597 : memref<1x1024xi32, #tpu.memory_space<hbm>>) target(%dma_start3A_595 : memref<1x1024xi32, #tpu.memory_space<vmem>>) target_semaphore(%dma_start3A_591 : memref<!tpu.dma_semaphore, #tpu.memory_space<semaphore_mem>>)
            "tpu.trace_stop"() : () -> ()
          } else {
          }
          %and3A_191 = arith.constant true
          %and3A_192 = arith.andi %and3A, %and3A_191 : i1
          %add3A_193 = arith.constant 1 : i32
          %add3A_194 = arith.addi %while3A_143, %add3A_193 : i32
          %select_n3A_195 = arith.select %and3A_192, %add3A_194, %while3A_143 : i32
          %ne3A_196 = arith.cmpi ne, %add3A_155, %add3A_173 : i32
          %or3A_197 = arith.constant false
          %or3A_198 = arith.ori %or3A_197, %ne3A_196 : i1
          %or3A_199 = arith.constant false
          %or3A_200 = arith.ori %or3A_198, %or3A_199 : i1
          %sub3A_201 = arith.constant 2 : i32
          %sub3A_202 = arith.subi %mul3A_149, %sub3A_201 : i32
          %add3A_203 = arith.constant 1 : i32
          %add3A_204 = arith.addi %sub3A_202, %add3A_203 : i32
          %ge3A_205 = arith.cmpi sge, %while3A_142, %add3A_204 : i32
          %not3A_206 = arith.constant true
          %not3A_207 = arith.xori %ge3A_205, %not3A_206 : i1
          %and3A_208 = arith.andi %or3A_200, %not3A_207 : i1
          %ne3A_209 = arith.cmpi ne, %add3A_155, %add3A_165 : i32
          %or3A_210 = arith.constant false
          %or3A_211 = arith.ori %or3A_210, %ne3A_209 : i1
          %or3A_212 = arith.ori %or3A_211, %eq3A_151 : i1
          %convert_element_type3A_213 = arith.extui %or3A_212 : i1 to i32
          %cond3A_214 = arith.constant 0 : i32
          %cond3A_215 = arith.cmpi ne, %convert_element_type3A_213, %cond3A_214 : i32
          scf.if %cond3A_215 {
            "tpu.trace_start"() <{level = 10 : i32, message = "ep_wait_in"}> : () -> ()
            %mul3A_580 = arith.constant 1024 : i32
            %mul3A_581 = arith.muli %mul3A_580, %add3A_155 : i32
            %rem3A_582 = arith.constant 2 : i32
            %rem3A_583 = arith.remui %while3A_144, %rem3A_582 : i32
            %dma_wait3A_584 = arith.constant 0 : i32
            %dma_wait3A_585 = arith.constant 0 : i32
            %dma_wait3A_586 = tpu.memref_slice %run_scoped3A[%rem3A_583, %dma_wait3A_584, %dma_wait3A_585] : memref<2x1x1024xi32, #tpu.memory_space<vmem>> -> memref<1x1x1024xi32, #tpu.memory_space<vmem>>
            %dma_wait3A_587 = tpu.memref_squeeze %dma_wait3A_586 : memref<1x1x1024xi32, #tpu.memory_space<vmem>> -> memref<1x1024xi32, #tpu.memory_space<vmem>>
            %dma_wait3A_588 = arith.constant 0 : i32
            %dma_wait3A_589 = tpu.memref_slice %arg3[%dma_wait3A_588, %mul3A_581] : memref<1x3200000xi32, #tpu.memory_space<hbm>> -> memref<1x1024xi32, #tpu.memory_space<hbm>>
            %dma_wait3A_590 = tpu.memref_slice %run_scoped3A_17[%rem3A_583] : memref<2x!tpu.dma_semaphore, #tpu.memory_space<semaphore_mem>> -> memref<1x!tpu.dma_semaphore, #tpu.memory_space<semaphore_mem>>
            %dma_wait3A_591 = tpu.memref_squeeze %dma_wait3A_590 : memref<1x!tpu.dma_semaphore, #tpu.memory_space<semaphore_mem>> -> memref<!tpu.dma_semaphore, #tpu.memory_space<semaphore_mem>>
            %dma_wait3A_592 = arith.constant 0 : i32
            %dma_wait3A_593 = arith.constant 0 : i32
            %dma_wait3A_594 = tpu.memref_slice %run_scoped3A[%rem3A_583, %dma_wait3A_592, %dma_wait3A_593] : memref<2x1x1024xi32, #tpu.memory_space<vmem>> -> memref<1x1x1024xi32, #tpu.memory_space<vmem>>
            %dma_wait3A_595 = tpu.memref_squeeze %dma_wait3A_594 : memref<1x1x1024xi32, #tpu.memory_space<vmem>> -> memref<1x1024xi32, #tpu.memory_space<vmem>>
            %dma_wait3A_596 = arith.constant 0 : i32
            %dma_wait3A_597 = tpu.memref_slice %arg3[%dma_wait3A_596, %mul3A_581] : memref<1x3200000xi32, #tpu.memory_space<hbm>> -> memref<1x1024xi32, #tpu.memory_space<hbm>>
            tpu.wait_dma2 semaphore(%dma_wait3A_591 : memref<!tpu.dma_semaphore, #tpu.memory_space<semaphore_mem>>) src(%dma_wait3A_597 : memref<1x1024xi32, #tpu.memory_space<hbm>>) dst(%dma_wait3A_595 : memref<1x1024xi32, #tpu.memory_space<vmem>>)
            "tpu.trace_stop"() : () -> ()
          } else {
          }
          %ne3A_216 = arith.cmpi ne, %add3A_155, %add3A_165 : i32
          %or3A_217 = arith.constant false
          %or3A_218 = arith.ori %or3A_217, %ne3A_216 : i1
          %or3A_219 = arith.constant false
          %or3A_220 = arith.ori %or3A_218, %or3A_219 : i1
          %or3A_221 = arith.ori %or3A_220, %eq3A_151 : i1
          %convert_element_type3A_222 = arith.extui %or3A_221 : i1 to i32
          %cond3A_223 = arith.constant 0 : i32
          %cond3A_224 = arith.cmpi ne, %convert_element_type3A_222, %cond3A_223 : i32
          scf.if %cond3A_224 {
          } else {
          }
          %rem3A_225 = arith.constant 2 : i32
          %rem3A_226 = arith.remui %while3A_144, %rem3A_225 : i32
          %rem3A_227 = arith.constant 2 : i32
          %rem3A_228 = arith.remui %while3A_145, %rem3A_227 : i32
          %dma_start3A_229 = arith.constant 0 : i32
          "tpu.trace_start"() <{level = 10 : i32, message = "ep_run_kernel"}> : () -> ()
          %dma_start3A_230 = arith.constant 0 : i32
          %dma_start3A_231 = arith.constant 0 : i32
          %dma_start3A_232 = tpu.memref_slice %run_scoped3A_18[%rem3A_228, %dma_start3A_230, %dma_start3A_231] : memref<2x1024x16xf32, #tpu.memory_space<vmem>> -> memref<1x1024x16xf32, #tpu.memory_space<vmem>>
          %dma_start3A_233 = tpu.memref_squeeze %dma_start3A_232 : memref<1x1024x16xf32, #tpu.memory_space<vmem>> -> memref<1024x16xf32, #tpu.memory_space<vmem>>
          %dma_start3A_234 = arith.constant 0 : i32
          %dma_start3A_235 = arith.constant 0 : i32
          %dma_start3A_236 = tpu.memref_slice %dma_start3A_233[%dma_start3A_234, %dma_start3A_235] : memref<1024x16xf32, #tpu.memory_space<vmem>> -> memref<128x16xf32, #tpu.memory_space<vmem>>
          %dma_start3A_237 = arith.constant 0 : i32
          %dma_start3A_238 = arith.constant 0 : i32
          %dma_start3A_239 = tpu.memref_slice %run_scoped3A[%rem3A_226, %dma_start3A_237, %dma_start3A_238] : memref<2x1x1024xi32, #tpu.memory_space<vmem>> -> memref<1x1x1024xi32, #tpu.memory_space<vmem>>
          %dma_start3A_240 = tpu.memref_squeeze %dma_start3A_239 : memref<1x1x1024xi32, #tpu.memory_space<vmem>> -> memref<1x1024xi32, #tpu.memory_space<vmem>>
          %dma_start3A_241 = arith.constant 0 : i32
          %dma_start3A_242 = tpu.memref_slice %dma_start3A_240[%dma_start3A_229, %dma_start3A_241] : memref<1x1024xi32, #tpu.memory_space<vmem>> -> memref<1x128xi32, #tpu.memory_space<vmem>>
          %dma_start3A_243 = tpu.memref_squeeze %dma_start3A_242 : memref<1x128xi32, #tpu.memory_space<vmem>> -> memref<128xi32, #tpu.memory_space<vmem>>
          %dma_start3A_244 = arith.constant 0 : i32
          %dma_start3A_245 = arith.constant 0 : i32
          %dma_start3A_246 = tpu.memref_slice %arg2[%dma_start3A_244, %dma_start3A_245] : memref<100000x16xf32, #tpu.memory_space<hbm>> -> memref<100000x16xf32, #tpu.memory_space<hbm>>
          tpu.enqueue_indirect_dma source(%dma_start3A_246 : memref<100000x16xf32, #tpu.memory_space<hbm>>) target(%dma_start3A_236 : memref<128x16xf32, #tpu.memory_space<vmem>>) offsets(%dma_start3A_243 : memref<128xi32, #tpu.memory_space<vmem>>) semaphore(%arg5 : memref<!tpu.dma_semaphore, #tpu.memory_space<semaphore_mem>>)
          %dma_start3A_247 = arith.constant 0 : i32
          %dma_start3A_248 = arith.constant 0 : i32
          %dma_start3A_249 = arith.constant 0 : i32
          %dma_start3A_250 = tpu.memref_slice %run_scoped3A_18[%rem3A_228, %dma_start3A_248, %dma_start3A_249] : memref<2x1024x16xf32, #tpu.memory_space<vmem>> -> memref<1x1024x16xf32, #tpu.memory_space<vmem>>
          %dma_start3A_251 = tpu.memref_squeeze %dma_start3A_250 : memref<1x1024x16xf32, #tpu.memory_space<vmem>> -> memref<1024x16xf32, #tpu.memory_space<vmem>>
          %dma_start3A_252 = arith.constant 128 : i32
          %dma_start3A_253 = arith.constant 0 : i32
          %dma_start3A_254 = tpu.memref_slice %dma_start3A_251[%dma_start3A_252, %dma_start3A_253] : memref<1024x16xf32, #tpu.memory_space<vmem>> -> memref<128x16xf32, #tpu.memory_space<vmem>>
          %dma_start3A_255 = arith.constant 0 : i32
          %dma_start3A_256 = arith.constant 0 : i32
          %dma_start3A_257 = tpu.memref_slice %run_scoped3A[%rem3A_226, %dma_start3A_255, %dma_start3A_256] : memref<2x1x1024xi32, #tpu.memory_space<vmem>> -> memref<1x1x1024xi32, #tpu.memory_space<vmem>>
          %dma_start3A_258 = tpu.memref_squeeze %dma_start3A_257 : memref<1x1x1024xi32, #tpu.memory_space<vmem>> -> memref<1x1024xi32, #tpu.memory_space<vmem>>
          %dma_start3A_259 = arith.constant 128 : i32
          %dma_start3A_260 = tpu.memref_slice %dma_start3A_258[%dma_start3A_247, %dma_start3A_259] : memref<1x1024xi32, #tpu.memory_space<vmem>> -> memref<1x128xi32, #tpu.memory_space<vmem>>
          %dma_start3A_261 = tpu.memref_squeeze %dma_start3A_260 : memref<1x128xi32, #tpu.memory_space<vmem>> -> memref<128xi32, #tpu.memory_space<vmem>>
          %dma_start3A_262 = arith.constant 0 : i32
          %dma_start3A_263 = arith.constant 0 : i32
          %dma_start3A_264 = tpu.memref_slice %arg2[%dma_start3A_262, %dma_start3A_263] : memref<100000x16xf32, #tpu.memory_space<hbm>> -> memref<100000x16xf32, #tpu.memory_space<hbm>>
          tpu.enqueue_indirect_dma source(%dma_start3A_264 : memref<100000x16xf32, #tpu.memory_space<hbm>>) target(%dma_start3A_254 : memref<128x16xf32, #tpu.memory_space<vmem>>) offsets(%dma_start3A_261 : memref<128xi32, #tpu.memory_space<vmem>>) semaphore(%arg5 : memref<!tpu.dma_semaphore, #tpu.memory_space<semaphore_mem>>)
          %dma_start3A_265 = arith.constant 0 : i32
          %dma_start3A_266 = arith.constant 0 : i32
          %dma_start3A_267 = arith.constant 0 : i32
          %dma_start3A_268 = tpu.memref_slice %run_scoped3A_18[%rem3A_228, %dma_start3A_266, %dma_start3A_267] : memref<2x1024x16xf32, #tpu.memory_space<vmem>> -> memref<1x1024x16xf32, #tpu.memory_space<vmem>>
          %dma_start3A_269 = tpu.memref_squeeze %dma_start3A_268 : memref<1x1024x16xf32, #tpu.memory_space<vmem>> -> memref<1024x16xf32, #tpu.memory_space<vmem>>
          %dma_start3A_270 = arith.constant 256 : i32
          %dma_start3A_271 = arith.constant 0 : i32
          %dma_start3A_272 = tpu.memref_slice %dma_start3A_269[%dma_start3A_270, %dma_start3A_271] : memref<1024x16xf32, #tpu.memory_space<vmem>> -> memref<128x16xf32, #tpu.memory_space<vmem>>
          %dma_start3A_273 = arith.constant 0 : i32
          %dma_start3A_274 = arith.constant 0 : i32
          %dma_start3A_275 = tpu.memref_slice %run_scoped3A[%rem3A_226, %dma_start3A_273, %dma_start3A_274] : memref<2x1x1024xi32, #tpu.memory_space<vmem>> -> memref<1x1x1024xi32, #tpu.memory_space<vmem>>
          %dma_start3A_276 = tpu.memref_squeeze %dma_start3A_275 : memref<1x1x1024xi32, #tpu.memory_space<vmem>> -> memref<1x1024xi32, #tpu.memory_space<vmem>>
          %dma_start3A_277 = arith.constant 256 : i32
          %dma_start3A_278 = tpu.memref_slice %dma_start3A_276[%dma_start3A_265, %dma_start3A_277] : memref<1x1024xi32, #tpu.memory_space<vmem>> -> memref<1x128xi32, #tpu.memory_space<vmem>>
          %dma_start3A_279 = tpu.memref_squeeze %dma_start3A_278 : memref<1x128xi32, #tpu.memory_space<vmem>> -> memref<128xi32, #tpu.memory_space<vmem>>
          %dma_start3A_280 = arith.constant 0 : i32
          %dma_start3A_281 = arith.constant 0 : i32
          %dma_start3A_282 = tpu.memref_slice %arg2[%dma_start3A_280, %dma_start3A_281] : memref<100000x16xf32, #tpu.memory_space<hbm>> -> memref<100000x16xf32, #tpu.memory_space<hbm>>
          tpu.enqueue_indirect_dma source(%dma_start3A_282 : memref<100000x16xf32, #tpu.memory_space<hbm>>) target(%dma_start3A_272 : memref<128x16xf32, #tpu.memory_space<vmem>>) offsets(%dma_start3A_279 : memref<128xi32, #tpu.memory_space<vmem>>) semaphore(%arg5 : memref<!tpu.dma_semaphore, #tpu.memory_space<semaphore_mem>>)
          %dma_start3A_283 = arith.constant 0 : i32
          %dma_start3A_284 = arith.constant 0 : i32
          %dma_start3A_285 = arith.constant 0 : i32
          %dma_start3A_286 = tpu.memref_slice %run_scoped3A_18[%rem3A_228, %dma_start3A_284, %dma_start3A_285] : memref<2x1024x16xf32, #tpu.memory_space<vmem>> -> memref<1x1024x16xf32, #tpu.memory_space<vmem>>
          %dma_start3A_287 = tpu.memref_squeeze %dma_start3A_286 : memref<1x1024x16xf32, #tpu.memory_space<vmem>> -> memref<1024x16xf32, #tpu.memory_space<vmem>>
          %dma_start3A_288 = arith.constant 384 : i32
          %dma_start3A_289 = arith.constant 0 : i32
          %dma_start3A_290 = tpu.memref_slice %dma_start3A_287[%dma_start3A_288, %dma_start3A_289] : memref<1024x16xf32, #tpu.memory_space<vmem>> -> memref<128x16xf32, #tpu.memory_space<vmem>>
          %dma_start3A_291 = arith.constant 0 : i32
          %dma_start3A_292 = arith.constant 0 : i32
          %dma_start3A_293 = tpu.memref_slice %run_scoped3A[%rem3A_226, %dma_start3A_291, %dma_start3A_292] : memref<2x1x1024xi32, #tpu.memory_space<vmem>> -> memref<1x1x1024xi32, #tpu.memory_space<vmem>>
          %dma_start3A_294 = tpu.memref_squeeze %dma_start3A_293 : memref<1x1x1024xi32, #tpu.memory_space<vmem>> -> memref<1x1024xi32, #tpu.memory_space<vmem>>
          %dma_start3A_295 = arith.constant 384 : i32
          %dma_start3A_296 = tpu.memref_slice %dma_start3A_294[%dma_start3A_283, %dma_start3A_295] : memref<1x1024xi32, #tpu.memory_space<vmem>> -> memref<1x128xi32, #tpu.memory_space<vmem>>
          %dma_start3A_297 = tpu.memref_squeeze %dma_start3A_296 : memref<1x128xi32, #tpu.memory_space<vmem>> -> memref<128xi32, #tpu.memory_space<vmem>>
          %dma_start3A_298 = arith.constant 0 : i32
          %dma_start3A_299 = arith.constant 0 : i32
          %dma_start3A_300 = tpu.memref_slice %arg2[%dma_start3A_298, %dma_start3A_299] : memref<100000x16xf32, #tpu.memory_space<hbm>> -> memref<100000x16xf32, #tpu.memory_space<hbm>>
          tpu.enqueue_indirect_dma source(%dma_start3A_300 : memref<100000x16xf32, #tpu.memory_space<hbm>>) target(%dma_start3A_290 : memref<128x16xf32, #tpu.memory_space<vmem>>) offsets(%dma_start3A_297 : memref<128xi32, #tpu.memory_space<vmem>>) semaphore(%arg5 : memref<!tpu.dma_semaphore, #tpu.memory_space<semaphore_mem>>)
          %dma_start3A_301 = arith.constant 0 : i32
          %dma_start3A_302 = arith.constant 0 : i32
          %dma_start3A_303 = arith.constant 0 : i32
          %dma_start3A_304 = tpu.memref_slice %run_scoped3A_18[%rem3A_228, %dma_start3A_302, %dma_start3A_303] : memref<2x1024x16xf32, #tpu.memory_space<vmem>> -> memref<1x1024x16xf32, #tpu.memory_space<vmem>>
          %dma_start3A_305 = tpu.memref_squeeze %dma_start3A_304 : memref<1x1024x16xf32, #tpu.memory_space<vmem>> -> memref<1024x16xf32, #tpu.memory_space<vmem>>
          %dma_start3A_306 = arith.constant 512 : i32
          %dma_start3A_307 = arith.constant 0 : i32
          %dma_start3A_308 = tpu.memref_slice %dma_start3A_305[%dma_start3A_306, %dma_start3A_307] : memref<1024x16xf32, #tpu.memory_space<vmem>> -> memref<128x16xf32, #tpu.memory_space<vmem>>
          %dma_start3A_309 = arith.constant 0 : i32
          %dma_start3A_310 = arith.constant 0 : i32
          %dma_start3A_311 = tpu.memref_slice %run_scoped3A[%rem3A_226, %dma_start3A_309, %dma_start3A_310] : memref<2x1x1024xi32, #tpu.memory_space<vmem>> -> memref<1x1x1024xi32, #tpu.memory_space<vmem>>
          %dma_start3A_312 = tpu.memref_squeeze %dma_start3A_311 : memref<1x1x1024xi32, #tpu.memory_space<vmem>> -> memref<1x1024xi32, #tpu.memory_space<vmem>>
          %dma_start3A_313 = arith.constant 512 : i32
          %dma_start3A_314 = tpu.memref_slice %dma_start3A_312[%dma_start3A_301, %dma_start3A_313] : memref<1x1024xi32, #tpu.memory_space<vmem>> -> memref<1x128xi32, #tpu.memory_space<vmem>>
          %dma_start3A_315 = tpu.memref_squeeze %dma_start3A_314 : memref<1x128xi32, #tpu.memory_space<vmem>> -> memref<128xi32, #tpu.memory_space<vmem>>
          %dma_start3A_316 = arith.constant 0 : i32
          %dma_start3A_317 = arith.constant 0 : i32
          %dma_start3A_318 = tpu.memref_slice %arg2[%dma_start3A_316, %dma_start3A_317] : memref<100000x16xf32, #tpu.memory_space<hbm>> -> memref<100000x16xf32, #tpu.memory_space<hbm>>
          tpu.enqueue_indirect_dma source(%dma_start3A_318 : memref<100000x16xf32, #tpu.memory_space<hbm>>) target(%dma_start3A_308 : memref<128x16xf32, #tpu.memory_space<vmem>>) offsets(%dma_start3A_315 : memref<128xi32, #tpu.memory_space<vmem>>) semaphore(%arg5 : memref<!tpu.dma_semaphore, #tpu.memory_space<semaphore_mem>>)
          %dma_start3A_319 = arith.constant 0 : i32
          %dma_start3A_320 = arith.constant 0 : i32
          %dma_start3A_321 = arith.constant 0 : i32
          %dma_start3A_322 = tpu.memref_slice %run_scoped3A_18[%rem3A_228, %dma_start3A_320, %dma_start3A_321] : memref<2x1024x16xf32, #tpu.memory_space<vmem>> -> memref<1x1024x16xf32, #tpu.memory_space<vmem>>
          %dma_start3A_323 = tpu.memref_squeeze %dma_start3A_322 : memref<1x1024x16xf32, #tpu.memory_space<vmem>> -> memref<1024x16xf32, #tpu.memory_space<vmem>>
          %dma_start3A_324 = arith.constant 640 : i32
          %dma_start3A_325 = arith.constant 0 : i32
          %dma_start3A_326 = tpu.memref_slice %dma_start3A_323[%dma_start3A_324, %dma_start3A_325] : memref<1024x16xf32, #tpu.memory_space<vmem>> -> memref<128x16xf32, #tpu.memory_space<vmem>>
          %dma_start3A_327 = arith.constant 0 : i32
          %dma_start3A_328 = arith.constant 0 : i32
          %dma_start3A_329 = tpu.memref_slice %run_scoped3A[%rem3A_226, %dma_start3A_327, %dma_start3A_328] : memref<2x1x1024xi32, #tpu.memory_space<vmem>> -> memref<1x1x1024xi32, #tpu.memory_space<vmem>>
          %dma_start3A_330 = tpu.memref_squeeze %dma_start3A_329 : memref<1x1x1024xi32, #tpu.memory_space<vmem>> -> memref<1x1024xi32, #tpu.memory_space<vmem>>
          %dma_start3A_331 = arith.constant 640 : i32
          %dma_start3A_332 = tpu.memref_slice %dma_start3A_330[%dma_start3A_319, %dma_start3A_331] : memref<1x1024xi32, #tpu.memory_space<vmem>> -> memref<1x128xi32, #tpu.memory_space<vmem>>
          %dma_start3A_333 = tpu.memref_squeeze %dma_start3A_332 : memref<1x128xi32, #tpu.memory_space<vmem>> -> memref<128xi32, #tpu.memory_space<vmem>>
          %dma_start3A_334 = arith.constant 0 : i32
          %dma_start3A_335 = arith.constant 0 : i32
          %dma_start3A_336 = tpu.memref_slice %arg2[%dma_start3A_334, %dma_start3A_335] : memref<100000x16xf32, #tpu.memory_space<hbm>> -> memref<100000x16xf32, #tpu.memory_space<hbm>>
          tpu.enqueue_indirect_dma source(%dma_start3A_336 : memref<100000x16xf32, #tpu.memory_space<hbm>>) target(%dma_start3A_326 : memref<128x16xf32, #tpu.memory_space<vmem>>) offsets(%dma_start3A_333 : memref<128xi32, #tpu.memory_space<vmem>>) semaphore(%arg5 : memref<!tpu.dma_semaphore, #tpu.memory_space<semaphore_mem>>)
          %dma_start3A_337 = arith.constant 0 : i32
          %dma_start3A_338 = arith.constant 0 : i32
          %dma_start3A_339 = arith.constant 0 : i32
          %dma_start3A_340 = tpu.memref_slice %run_scoped3A_18[%rem3A_228, %dma_start3A_338, %dma_start3A_339] : memref<2x1024x16xf32, #tpu.memory_space<vmem>> -> memref<1x1024x16xf32, #tpu.memory_space<vmem>>
          %dma_start3A_341 = tpu.memref_squeeze %dma_start3A_340 : memref<1x1024x16xf32, #tpu.memory_space<vmem>> -> memref<1024x16xf32, #tpu.memory_space<vmem>>
          %dma_start3A_342 = arith.constant 768 : i32
          %dma_start3A_343 = arith.constant 0 : i32
          %dma_start3A_344 = tpu.memref_slice %dma_start3A_341[%dma_start3A_342, %dma_start3A_343] : memref<1024x16xf32, #tpu.memory_space<vmem>> -> memref<128x16xf32, #tpu.memory_space<vmem>>
          %dma_start3A_345 = arith.constant 0 : i32
          %dma_start3A_346 = arith.constant 0 : i32
          %dma_start3A_347 = tpu.memref_slice %run_scoped3A[%rem3A_226, %dma_start3A_345, %dma_start3A_346] : memref<2x1x1024xi32, #tpu.memory_space<vmem>> -> memref<1x1x1024xi32, #tpu.memory_space<vmem>>
          %dma_start3A_348 = tpu.memref_squeeze %dma_start3A_347 : memref<1x1x1024xi32, #tpu.memory_space<vmem>> -> memref<1x1024xi32, #tpu.memory_space<vmem>>
          %dma_start3A_349 = arith.constant 768 : i32
          %dma_start3A_350 = tpu.memref_slice %dma_start3A_348[%dma_start3A_337, %dma_start3A_349] : memref<1x1024xi32, #tpu.memory_space<vmem>> -> memref<1x128xi32, #tpu.memory_space<vmem>>
          %dma_start3A_351 = tpu.memref_squeeze %dma_start3A_350 : memref<1x128xi32, #tpu.memory_space<vmem>> -> memref<128xi32, #tpu.memory_space<vmem>>
          %dma_start3A_352 = arith.constant 0 : i32
          %dma_start3A_353 = arith.constant 0 : i32
          %dma_start3A_354 = tpu.memref_slice %arg2[%dma_start3A_352, %dma_start3A_353] : memref<100000x16xf32, #tpu.memory_space<hbm>> -> memref<100000x16xf32, #tpu.memory_space<hbm>>
          tpu.enqueue_indirect_dma source(%dma_start3A_354 : memref<100000x16xf32, #tpu.memory_space<hbm>>) target(%dma_start3A_344 : memref<128x16xf32, #tpu.memory_space<vmem>>) offsets(%dma_start3A_351 : memref<128xi32, #tpu.memory_space<vmem>>) semaphore(%arg5 : memref<!tpu.dma_semaphore, #tpu.memory_space<semaphore_mem>>)
          %dma_start3A_355 = arith.constant 0 : i32
          %dma_start3A_356 = arith.constant 0 : i32
          %dma_start3A_357 = arith.constant 0 : i32
          %dma_start3A_358 = tpu.memref_slice %run_scoped3A_18[%rem3A_228, %dma_start3A_356, %dma_start3A_357] : memref<2x1024x16xf32, #tpu.memory_space<vmem>> -> memref<1x1024x16xf32, #tpu.memory_space<vmem>>
          %dma_start3A_359 = tpu.memref_squeeze %dma_start3A_358 : memref<1x1024x16xf32, #tpu.memory_space<vmem>> -> memref<1024x16xf32, #tpu.memory_space<vmem>>
          %dma_start3A_360 = arith.constant 896 : i32
          %dma_start3A_361 = arith.constant 0 : i32
          %dma_start3A_362 = tpu.memref_slice %dma_start3A_359[%dma_start3A_360, %dma_start3A_361] : memref<1024x16xf32, #tpu.memory_space<vmem>> -> memref<128x16xf32, #tpu.memory_space<vmem>>
          %dma_start3A_363 = arith.constant 0 : i32
          %dma_start3A_364 = arith.constant 0 : i32
          %dma_start3A_365 = tpu.memref_slice %run_scoped3A[%rem3A_226, %dma_start3A_363, %dma_start3A_364] : memref<2x1x1024xi32, #tpu.memory_space<vmem>> -> memref<1x1x1024xi32, #tpu.memory_space<vmem>>
          %dma_start3A_366 = tpu.memref_squeeze %dma_start3A_365 : memref<1x1x1024xi32, #tpu.memory_space<vmem>> -> memref<1x1024xi32, #tpu.memory_space<vmem>>
          %dma_start3A_367 = arith.constant 896 : i32
          %dma_start3A_368 = tpu.memref_slice %dma_start3A_366[%dma_start3A_355, %dma_start3A_367] : memref<1x1024xi32, #tpu.memory_space<vmem>> -> memref<1x128xi32, #tpu.memory_space<vmem>>
          %dma_start3A_369 = tpu.memref_squeeze %dma_start3A_368 : memref<1x128xi32, #tpu.memory_space<vmem>> -> memref<128xi32, #tpu.memory_space<vmem>>
          %dma_start3A_370 = arith.constant 0 : i32
          %dma_start3A_371 = arith.constant 0 : i32
          %dma_start3A_372 = tpu.memref_slice %arg2[%dma_start3A_370, %dma_start3A_371] : memref<100000x16xf32, #tpu.memory_space<hbm>> -> memref<100000x16xf32, #tpu.memory_space<hbm>>
          tpu.enqueue_indirect_dma source(%dma_start3A_372 : memref<100000x16xf32, #tpu.memory_space<hbm>>) target(%dma_start3A_362 : memref<128x16xf32, #tpu.memory_space<vmem>>) offsets(%dma_start3A_369 : memref<128xi32, #tpu.memory_space<vmem>>) semaphore(%arg5 : memref<!tpu.dma_semaphore, #tpu.memory_space<semaphore_mem>>)
          %dma_wait3A = arith.constant 0 : i32
          %dma_wait3A_373 = arith.constant 0 : i32
          %dma_wait3A_374 = arith.constant 0 : i32
          %dma_wait3A_375 = tpu.memref_slice %run_scoped3A_18[%rem3A_228, %dma_wait3A_373, %dma_wait3A_374] : memref<2x1024x16xf32, #tpu.memory_space<vmem>> -> memref<1x1024x16xf32, #tpu.memory_space<vmem>>
          %dma_wait3A_376 = tpu.memref_squeeze %dma_wait3A_375 : memref<1x1024x16xf32, #tpu.memory_space<vmem>> -> memref<1024x16xf32, #tpu.memory_space<vmem>>
          %dma_wait3A_377 = arith.constant 0 : i32
          %dma_wait3A_378 = arith.constant 0 : i32
          %dma_wait3A_379 = tpu.memref_slice %dma_wait3A_376[%dma_wait3A_377, %dma_wait3A_378] : memref<1024x16xf32, #tpu.memory_space<vmem>> -> memref<128x16xf32, #tpu.memory_space<vmem>>
          %dma_wait3A_380 = arith.constant 0 : i32
          %dma_wait3A_381 = arith.constant 0 : i32
          %dma_wait3A_382 = tpu.memref_slice %run_scoped3A[%rem3A_226, %dma_wait3A_380, %dma_wait3A_381] : memref<2x1x1024xi32, #tpu.memory_space<vmem>> -> memref<1x1x1024xi32, #tpu.memory_space<vmem>>
          %dma_wait3A_383 = tpu.memref_squeeze %dma_wait3A_382 : memref<1x1x1024xi32, #tpu.memory_space<vmem>> -> memref<1x1024xi32, #tpu.memory_space<vmem>>
          %dma_wait3A_384 = arith.constant 0 : i32
          %dma_wait3A_385 = tpu.memref_slice %dma_wait3A_383[%dma_wait3A, %dma_wait3A_384] : memref<1x1024xi32, #tpu.memory_space<vmem>> -> memref<1x128xi32, #tpu.memory_space<vmem>>
          %dma_wait3A_386 = tpu.memref_squeeze %dma_wait3A_385 : memref<1x128xi32, #tpu.memory_space<vmem>> -> memref<128xi32, #tpu.memory_space<vmem>>
          %dma_wait3A_387 = arith.constant 0 : i32
          %dma_wait3A_388 = arith.constant 0 : i32
          %dma_wait3A_389 = tpu.memref_slice %arg2[%dma_wait3A_387, %dma_wait3A_388] : memref<100000x16xf32, #tpu.memory_space<hbm>> -> memref<100000x16xf32, #tpu.memory_space<hbm>>
          tpu.wait_indirect_dma semaphore(%arg5 : memref<!tpu.dma_semaphore, #tpu.memory_space<semaphore_mem>>) src(%dma_wait3A_389 : memref<100000x16xf32, #tpu.memory_space<hbm>>) dst(%dma_wait3A_379 : memref<128x16xf32, #tpu.memory_space<vmem>>)
          %dma_wait3A_390 = arith.constant 0 : i32
          %dma_wait3A_391 = arith.constant 0 : i32
          %dma_wait3A_392 = arith.constant 0 : i32
          %dma_wait3A_393 = tpu.memref_slice %run_scoped3A_18[%rem3A_228, %dma_wait3A_391, %dma_wait3A_392] : memref<2x1024x16xf32, #tpu.memory_space<vmem>> -> memref<1x1024x16xf32, #tpu.memory_space<vmem>>
          %dma_wait3A_394 = tpu.memref_squeeze %dma_wait3A_393 : memref<1x1024x16xf32, #tpu.memory_space<vmem>> -> memref<1024x16xf32, #tpu.memory_space<vmem>>
          %dma_wait3A_395 = arith.constant 128 : i32
          %dma_wait3A_396 = arith.constant 0 : i32
          %dma_wait3A_397 = tpu.memref_slice %dma_wait3A_394[%dma_wait3A_395, %dma_wait3A_396] : memref<1024x16xf32, #tpu.memory_space<vmem>> -> memref<128x16xf32, #tpu.memory_space<vmem>>
          %dma_wait3A_398 = arith.constant 0 : i32
          %dma_wait3A_399 = arith.constant 0 : i32
          %dma_wait3A_400 = tpu.memref_slice %run_scoped3A[%rem3A_226, %dma_wait3A_398, %dma_wait3A_399] : memref<2x1x1024xi32, #tpu.memory_space<vmem>> -> memref<1x1x1024xi32, #tpu.memory_space<vmem>>
          %dma_wait3A_401 = tpu.memref_squeeze %dma_wait3A_400 : memref<1x1x1024xi32, #tpu.memory_space<vmem>> -> memref<1x1024xi32, #tpu.memory_space<vmem>>
          %dma_wait3A_402 = arith.constant 128 : i32
          %dma_wait3A_403 = tpu.memref_slice %dma_wait3A_401[%dma_wait3A_390, %dma_wait3A_402] : memref<1x1024xi32, #tpu.memory_space<vmem>> -> memref<1x128xi32, #tpu.memory_space<vmem>>
          %dma_wait3A_404 = tpu.memref_squeeze %dma_wait3A_403 : memref<1x128xi32, #tpu.memory_space<vmem>> -> memref<128xi32, #tpu.memory_space<vmem>>
          %dma_wait3A_405 = arith.constant 0 : i32
          %dma_wait3A_406 = arith.constant 0 : i32
          %dma_wait3A_407 = tpu.memref_slice %arg2[%dma_wait3A_405, %dma_wait3A_406] : memref<100000x16xf32, #tpu.memory_space<hbm>> -> memref<100000x16xf32, #tpu.memory_space<hbm>>
          tpu.wait_indirect_dma semaphore(%arg5 : memref<!tpu.dma_semaphore, #tpu.memory_space<semaphore_mem>>) src(%dma_wait3A_407 : memref<100000x16xf32, #tpu.memory_space<hbm>>) dst(%dma_wait3A_397 : memref<128x16xf32, #tpu.memory_space<vmem>>)
          %dma_wait3A_408 = arith.constant 0 : i32
          %dma_wait3A_409 = arith.constant 0 : i32
          %dma_wait3A_410 = arith.constant 0 : i32
          %dma_wait3A_411 = tpu.memref_slice %run_scoped3A_18[%rem3A_228, %dma_wait3A_409, %dma_wait3A_410] : memref<2x1024x16xf32, #tpu.memory_space<vmem>> -> memref<1x1024x16xf32, #tpu.memory_space<vmem>>
          %dma_wait3A_412 = tpu.memref_squeeze %dma_wait3A_411 : memref<1x1024x16xf32, #tpu.memory_space<vmem>> -> memref<1024x16xf32, #tpu.memory_space<vmem>>
          %dma_wait3A_413 = arith.constant 256 : i32
          %dma_wait3A_414 = arith.constant 0 : i32
          %dma_wait3A_415 = tpu.memref_slice %dma_wait3A_412[%dma_wait3A_413, %dma_wait3A_414] : memref<1024x16xf32, #tpu.memory_space<vmem>> -> memref<128x16xf32, #tpu.memory_space<vmem>>
          %dma_wait3A_416 = arith.constant 0 : i32
          %dma_wait3A_417 = arith.constant 0 : i32
          %dma_wait3A_418 = tpu.memref_slice %run_scoped3A[%rem3A_226, %dma_wait3A_416, %dma_wait3A_417] : memref<2x1x1024xi32, #tpu.memory_space<vmem>> -> memref<1x1x1024xi32, #tpu.memory_space<vmem>>
          %dma_wait3A_419 = tpu.memref_squeeze %dma_wait3A_418 : memref<1x1x1024xi32, #tpu.memory_space<vmem>> -> memref<1x1024xi32, #tpu.memory_space<vmem>>
          %dma_wait3A_420 = arith.constant 256 : i32
          %dma_wait3A_421 = tpu.memref_slice %dma_wait3A_419[%dma_wait3A_408, %dma_wait3A_420] : memref<1x1024xi32, #tpu.memory_space<vmem>> -> memref<1x128xi32, #tpu.memory_space<vmem>>
          %dma_wait3A_422 = tpu.memref_squeeze %dma_wait3A_421 : memref<1x128xi32, #tpu.memory_space<vmem>> -> memref<128xi32, #tpu.memory_space<vmem>>
          %dma_wait3A_423 = arith.constant 0 : i32
          %dma_wait3A_424 = arith.constant 0 : i32
          %dma_wait3A_425 = tpu.memref_slice %arg2[%dma_wait3A_423, %dma_wait3A_424] : memref<100000x16xf32, #tpu.memory_space<hbm>> -> memref<100000x16xf32, #tpu.memory_space<hbm>>
          tpu.wait_indirect_dma semaphore(%arg5 : memref<!tpu.dma_semaphore, #tpu.memory_space<semaphore_mem>>) src(%dma_wait3A_425 : memref<100000x16xf32, #tpu.memory_space<hbm>>) dst(%dma_wait3A_415 : memref<128x16xf32, #tpu.memory_space<vmem>>)
          %dma_wait3A_426 = arith.constant 0 : i32
          %dma_wait3A_427 = arith.constant 0 : i32
          %dma_wait3A_428 = arith.constant 0 : i32
          %dma_wait3A_429 = tpu.memref_slice %run_scoped3A_18[%rem3A_228, %dma_wait3A_427, %dma_wait3A_428] : memref<2x1024x16xf32, #tpu.memory_space<vmem>> -> memref<1x1024x16xf32, #tpu.memory_space<vmem>>
          %dma_wait3A_430 = tpu.memref_squeeze %dma_wait3A_429 : memref<1x1024x16xf32, #tpu.memory_space<vmem>> -> memref<1024x16xf32, #tpu.memory_space<vmem>>
          %dma_wait3A_431 = arith.constant 384 : i32
          %dma_wait3A_432 = arith.constant 0 : i32
          %dma_wait3A_433 = tpu.memref_slice %dma_wait3A_430[%dma_wait3A_431, %dma_wait3A_432] : memref<1024x16xf32, #tpu.memory_space<vmem>> -> memref<128x16xf32, #tpu.memory_space<vmem>>
          %dma_wait3A_434 = arith.constant 0 : i32
          %dma_wait3A_435 = arith.constant 0 : i32
          %dma_wait3A_436 = tpu.memref_slice %run_scoped3A[%rem3A_226, %dma_wait3A_434, %dma_wait3A_435] : memref<2x1x1024xi32, #tpu.memory_space<vmem>> -> memref<1x1x1024xi32, #tpu.memory_space<vmem>>
          %dma_wait3A_437 = tpu.memref_squeeze %dma_wait3A_436 : memref<1x1x1024xi32, #tpu.memory_space<vmem>> -> memref<1x1024xi32, #tpu.memory_space<vmem>>
          %dma_wait3A_438 = arith.constant 384 : i32
          %dma_wait3A_439 = tpu.memref_slice %dma_wait3A_437[%dma_wait3A_426, %dma_wait3A_438] : memref<1x1024xi32, #tpu.memory_space<vmem>> -> memref<1x128xi32, #tpu.memory_space<vmem>>
          %dma_wait3A_440 = tpu.memref_squeeze %dma_wait3A_439 : memref<1x128xi32, #tpu.memory_space<vmem>> -> memref<128xi32, #tpu.memory_space<vmem>>
          %dma_wait3A_441 = arith.constant 0 : i32
          %dma_wait3A_442 = arith.constant 0 : i32
          %dma_wait3A_443 = tpu.memref_slice %arg2[%dma_wait3A_441, %dma_wait3A_442] : memref<100000x16xf32, #tpu.memory_space<hbm>> -> memref<100000x16xf32, #tpu.memory_space<hbm>>
          tpu.wait_indirect_dma semaphore(%arg5 : memref<!tpu.dma_semaphore, #tpu.memory_space<semaphore_mem>>) src(%dma_wait3A_443 : memref<100000x16xf32, #tpu.memory_space<hbm>>) dst(%dma_wait3A_433 : memref<128x16xf32, #tpu.memory_space<vmem>>)
          %dma_wait3A_444 = arith.constant 0 : i32
          %dma_wait3A_445 = arith.constant 0 : i32
          %dma_wait3A_446 = arith.constant 0 : i32
          %dma_wait3A_447 = tpu.memref_slice %run_scoped3A_18[%rem3A_228, %dma_wait3A_445, %dma_wait3A_446] : memref<2x1024x16xf32, #tpu.memory_space<vmem>> -> memref<1x1024x16xf32, #tpu.memory_space<vmem>>
          %dma_wait3A_448 = tpu.memref_squeeze %dma_wait3A_447 : memref<1x1024x16xf32, #tpu.memory_space<vmem>> -> memref<1024x16xf32, #tpu.memory_space<vmem>>
          %dma_wait3A_449 = arith.constant 512 : i32
          %dma_wait3A_450 = arith.constant 0 : i32
          %dma_wait3A_451 = tpu.memref_slice %dma_wait3A_448[%dma_wait3A_449, %dma_wait3A_450] : memref<1024x16xf32, #tpu.memory_space<vmem>> -> memref<128x16xf32, #tpu.memory_space<vmem>>
          %dma_wait3A_452 = arith.constant 0 : i32
          %dma_wait3A_453 = arith.constant 0 : i32
          %dma_wait3A_454 = tpu.memref_slice %run_scoped3A[%rem3A_226, %dma_wait3A_452, %dma_wait3A_453] : memref<2x1x1024xi32, #tpu.memory_space<vmem>> -> memref<1x1x1024xi32, #tpu.memory_space<vmem>>
          %dma_wait3A_455 = tpu.memref_squeeze %dma_wait3A_454 : memref<1x1x1024xi32, #tpu.memory_space<vmem>> -> memref<1x1024xi32, #tpu.memory_space<vmem>>
          %dma_wait3A_456 = arith.constant 512 : i32
          %dma_wait3A_457 = tpu.memref_slice %dma_wait3A_455[%dma_wait3A_444, %dma_wait3A_456] : memref<1x1024xi32, #tpu.memory_space<vmem>> -> memref<1x128xi32, #tpu.memory_space<vmem>>
          %dma_wait3A_458 = tpu.memref_squeeze %dma_wait3A_457 : memref<1x128xi32, #tpu.memory_space<vmem>> -> memref<128xi32, #tpu.memory_space<vmem>>
          %dma_wait3A_459 = arith.constant 0 : i32
          %dma_wait3A_460 = arith.constant 0 : i32
          %dma_wait3A_461 = tpu.memref_slice %arg2[%dma_wait3A_459, %dma_wait3A_460] : memref<100000x16xf32, #tpu.memory_space<hbm>> -> memref<100000x16xf32, #tpu.memory_space<hbm>>
          tpu.wait_indirect_dma semaphore(%arg5 : memref<!tpu.dma_semaphore, #tpu.memory_space<semaphore_mem>>) src(%dma_wait3A_461 : memref<100000x16xf32, #tpu.memory_space<hbm>>) dst(%dma_wait3A_451 : memref<128x16xf32, #tpu.memory_space<vmem>>)
          %dma_wait3A_462 = arith.constant 0 : i32
          %dma_wait3A_463 = arith.constant 0 : i32
          %dma_wait3A_464 = arith.constant 0 : i32
          %dma_wait3A_465 = tpu.memref_slice %run_scoped3A_18[%rem3A_228, %dma_wait3A_463, %dma_wait3A_464] : memref<2x1024x16xf32, #tpu.memory_space<vmem>> -> memref<1x1024x16xf32, #tpu.memory_space<vmem>>
          %dma_wait3A_466 = tpu.memref_squeeze %dma_wait3A_465 : memref<1x1024x16xf32, #tpu.memory_space<vmem>> -> memref<1024x16xf32, #tpu.memory_space<vmem>>
          %dma_wait3A_467 = arith.constant 640 : i32
          %dma_wait3A_468 = arith.constant 0 : i32
          %dma_wait3A_469 = tpu.memref_slice %dma_wait3A_466[%dma_wait3A_467, %dma_wait3A_468] : memref<1024x16xf32, #tpu.memory_space<vmem>> -> memref<128x16xf32, #tpu.memory_space<vmem>>
          %dma_wait3A_470 = arith.constant 0 : i32
          %dma_wait3A_471 = arith.constant 0 : i32
          %dma_wait3A_472 = tpu.memref_slice %run_scoped3A[%rem3A_226, %dma_wait3A_470, %dma_wait3A_471] : memref<2x1x1024xi32, #tpu.memory_space<vmem>> -> memref<1x1x1024xi32, #tpu.memory_space<vmem>>
          %dma_wait3A_473 = tpu.memref_squeeze %dma_wait3A_472 : memref<1x1x1024xi32, #tpu.memory_space<vmem>> -> memref<1x1024xi32, #tpu.memory_space<vmem>>
          %dma_wait3A_474 = arith.constant 640 : i32
          %dma_wait3A_475 = tpu.memref_slice %dma_wait3A_473[%dma_wait3A_462, %dma_wait3A_474] : memref<1x1024xi32, #tpu.memory_space<vmem>> -> memref<1x128xi32, #tpu.memory_space<vmem>>
          %dma_wait3A_476 = tpu.memref_squeeze %dma_wait3A_475 : memref<1x128xi32, #tpu.memory_space<vmem>> -> memref<128xi32, #tpu.memory_space<vmem>>
          %dma_wait3A_477 = arith.constant 0 : i32
          %dma_wait3A_478 = arith.constant 0 : i32
          %dma_wait3A_479 = tpu.memref_slice %arg2[%dma_wait3A_477, %dma_wait3A_478] : memref<100000x16xf32, #tpu.memory_space<hbm>> -> memref<100000x16xf32, #tpu.memory_space<hbm>>
          tpu.wait_indirect_dma semaphore(%arg5 : memref<!tpu.dma_semaphore, #tpu.memory_space<semaphore_mem>>) src(%dma_wait3A_479 : memref<100000x16xf32, #tpu.memory_space<hbm>>) dst(%dma_wait3A_469 : memref<128x16xf32, #tpu.memory_space<vmem>>)
          %dma_wait3A_480 = arith.constant 0 : i32
          %dma_wait3A_481 = arith.constant 0 : i32
          %dma_wait3A_482 = arith.constant 0 : i32
          %dma_wait3A_483 = tpu.memref_slice %run_scoped3A_18[%rem3A_228, %dma_wait3A_481, %dma_wait3A_482] : memref<2x1024x16xf32, #tpu.memory_space<vmem>> -> memref<1x1024x16xf32, #tpu.memory_space<vmem>>
          %dma_wait3A_484 = tpu.memref_squeeze %dma_wait3A_483 : memref<1x1024x16xf32, #tpu.memory_space<vmem>> -> memref<1024x16xf32, #tpu.memory_space<vmem>>
          %dma_wait3A_485 = arith.constant 768 : i32
          %dma_wait3A_486 = arith.constant 0 : i32
          %dma_wait3A_487 = tpu.memref_slice %dma_wait3A_484[%dma_wait3A_485, %dma_wait3A_486] : memref<1024x16xf32, #tpu.memory_space<vmem>> -> memref<128x16xf32, #tpu.memory_space<vmem>>
          %dma_wait3A_488 = arith.constant 0 : i32
          %dma_wait3A_489 = arith.constant 0 : i32
          %dma_wait3A_490 = tpu.memref_slice %run_scoped3A[%rem3A_226, %dma_wait3A_488, %dma_wait3A_489] : memref<2x1x1024xi32, #tpu.memory_space<vmem>> -> memref<1x1x1024xi32, #tpu.memory_space<vmem>>
          %dma_wait3A_491 = tpu.memref_squeeze %dma_wait3A_490 : memref<1x1x1024xi32, #tpu.memory_space<vmem>> -> memref<1x1024xi32, #tpu.memory_space<vmem>>
          %dma_wait3A_492 = arith.constant 768 : i32
          %dma_wait3A_493 = tpu.memref_slice %dma_wait3A_491[%dma_wait3A_480, %dma_wait3A_492] : memref<1x1024xi32, #tpu.memory_space<vmem>> -> memref<1x128xi32, #tpu.memory_space<vmem>>
          %dma_wait3A_494 = tpu.memref_squeeze %dma_wait3A_493 : memref<1x128xi32, #tpu.memory_space<vmem>> -> memref<128xi32, #tpu.memory_space<vmem>>
          %dma_wait3A_495 = arith.constant 0 : i32
          %dma_wait3A_496 = arith.constant 0 : i32
          %dma_wait3A_497 = tpu.memref_slice %arg2[%dma_wait3A_495, %dma_wait3A_496] : memref<100000x16xf32, #tpu.memory_space<hbm>> -> memref<100000x16xf32, #tpu.memory_space<hbm>>
          tpu.wait_indirect_dma semaphore(%arg5 : memref<!tpu.dma_semaphore, #tpu.memory_space<semaphore_mem>>) src(%dma_wait3A_497 : memref<100000x16xf32, #tpu.memory_space<hbm>>) dst(%dma_wait3A_487 : memref<128x16xf32, #tpu.memory_space<vmem>>)
          %dma_wait3A_498 = arith.constant 0 : i32
          %dma_wait3A_499 = arith.constant 0 : i32
          %dma_wait3A_500 = arith.constant 0 : i32
          %dma_wait3A_501 = tpu.memref_slice %run_scoped3A_18[%rem3A_228, %dma_wait3A_499, %dma_wait3A_500] : memref<2x1024x16xf32, #tpu.memory_space<vmem>> -> memref<1x1024x16xf32, #tpu.memory_space<vmem>>
          %dma_wait3A_502 = tpu.memref_squeeze %dma_wait3A_501 : memref<1x1024x16xf32, #tpu.memory_space<vmem>> -> memref<1024x16xf32, #tpu.memory_space<vmem>>
          %dma_wait3A_503 = arith.constant 896 : i32
          %dma_wait3A_504 = arith.constant 0 : i32
          %dma_wait3A_505 = tpu.memref_slice %dma_wait3A_502[%dma_wait3A_503, %dma_wait3A_504] : memref<1024x16xf32, #tpu.memory_space<vmem>> -> memref<128x16xf32, #tpu.memory_space<vmem>>
          %dma_wait3A_506 = arith.constant 0 : i32
          %dma_wait3A_507 = arith.constant 0 : i32
          %dma_wait3A_508 = tpu.memref_slice %run_scoped3A[%rem3A_226, %dma_wait3A_506, %dma_wait3A_507] : memref<2x1x1024xi32, #tpu.memory_space<vmem>> -> memref<1x1x1024xi32, #tpu.memory_space<vmem>>
          %dma_wait3A_509 = tpu.memref_squeeze %dma_wait3A_508 : memref<1x1x1024xi32, #tpu.memory_space<vmem>> -> memref<1x1024xi32, #tpu.memory_space<vmem>>
          %dma_wait3A_510 = arith.constant 896 : i32
          %dma_wait3A_511 = tpu.memref_slice %dma_wait3A_509[%dma_wait3A_498, %dma_wait3A_510] : memref<1x1024xi32, #tpu.memory_space<vmem>> -> memref<1x128xi32, #tpu.memory_space<vmem>>
          %dma_wait3A_512 = tpu.memref_squeeze %dma_wait3A_511 : memref<1x128xi32, #tpu.memory_space<vmem>> -> memref<128xi32, #tpu.memory_space<vmem>>
          %dma_wait3A_513 = arith.constant 0 : i32
          %dma_wait3A_514 = arith.constant 0 : i32
          %dma_wait3A_515 = tpu.memref_slice %arg2[%dma_wait3A_513, %dma_wait3A_514] : memref<100000x16xf32, #tpu.memory_space<hbm>> -> memref<100000x16xf32, #tpu.memory_space<hbm>>
          tpu.wait_indirect_dma semaphore(%arg5 : memref<!tpu.dma_semaphore, #tpu.memory_space<semaphore_mem>>) src(%dma_wait3A_515 : memref<100000x16xf32, #tpu.memory_space<hbm>>) dst(%dma_wait3A_505 : memref<128x16xf32, #tpu.memory_space<vmem>>)
          "tpu.trace_stop"() : () -> ()
          %ne3A_516 = arith.cmpi ne, %add3A_155, %add3A_173 : i32
          %or3A_517 = arith.constant false
          %or3A_518 = arith.ori %or3A_517, %ne3A_516 : i1
          %or3A_519 = arith.ori %or3A_518, %eq3A_154 : i1
          %convert_element_type3A_520 = arith.extui %or3A_519 : i1 to i32
          %cond3A_521 = arith.constant 0 : i32
          %cond3A_522 = arith.cmpi ne, %convert_element_type3A_520, %cond3A_521 : i32
          scf.if %cond3A_522 {
          } else {
          }
          %and3A_523 = arith.constant false
          %and3A_524 = arith.andi %or3A_519, %and3A_523 : i1
          %ne3A_525 = arith.cmpi ne, %add3A_155, %add3A_173 : i32
          %or3A_526 = arith.constant false
          %or3A_527 = arith.ori %or3A_526, %ne3A_525 : i1
          %or3A_528 = arith.constant false
          %or3A_529 = arith.ori %or3A_527, %or3A_528 : i1
          %or3A_530 = arith.ori %or3A_529, %eq3A_154 : i1
          %convert_element_type3A_531 = arith.extui %or3A_530 : i1 to i32
          %cond3A_532 = arith.constant 0 : i32
          %cond3A_533 = arith.cmpi ne, %convert_element_type3A_531, %cond3A_532 : i32
          scf.if %cond3A_533 {
            "tpu.trace_start"() <{level = 10 : i32, message = "ep_copy_out"}> : () -> ()
            %rem3A_580 = arith.constant 2 : i32
            %rem3A_581 = arith.remui %while3A_145, %rem3A_580 : i32
            %mul3A_582 = arith.constant 1024 : i32
            %mul3A_583 = arith.muli %mul3A_582, %add3A_155 : i32
            %dma_start3A_584 = arith.constant 0 : i32
            %dma_start3A_585 = arith.constant 0 : i32
            %dma_start3A_586 = tpu.memref_slice %run_scoped3A_18[%rem3A_581, %dma_start3A_584, %dma_start3A_585] : memref<2x1024x16xf32, #tpu.memory_space<vmem>> -> memref<1x1024x16xf32, #tpu.memory_space<vmem>>
            %dma_start3A_587 = tpu.memref_squeeze %dma_start3A_586 : memref<1x1024x16xf32, #tpu.memory_space<vmem>> -> memref<1024x16xf32, #tpu.memory_space<vmem>>
            %dma_start3A_588 = arith.constant 0 : i32
            %dma_start3A_589 = tpu.memref_slice %arg4[%mul3A_583, %dma_start3A_588] : memref<3200000x16xf32, #tpu.memory_space<hbm>> -> memref<1024x16xf32, #tpu.memory_space<hbm>>
            %dma_start3A_590 = tpu.memref_slice %run_scoped3A_19[%rem3A_581] : memref<2x!tpu.dma_semaphore, #tpu.memory_space<semaphore_mem>> -> memref<1x!tpu.dma_semaphore, #tpu.memory_space<semaphore_mem>>
            %dma_start3A_591 = tpu.memref_squeeze %dma_start3A_590 : memref<1x!tpu.dma_semaphore, #tpu.memory_space<semaphore_mem>> -> memref<!tpu.dma_semaphore, #tpu.memory_space<semaphore_mem>>
            %dma_start3A_592 = arith.constant 0 : i32
            %dma_start3A_593 = tpu.memref_slice %arg4[%mul3A_583, %dma_start3A_592] : memref<3200000x16xf32, #tpu.memory_space<hbm>> -> memref<1024x16xf32, #tpu.memory_space<hbm>>
            %dma_start3A_594 = arith.constant 0 : i32
            %dma_start3A_595 = arith.constant 0 : i32
            %dma_start3A_596 = tpu.memref_slice %run_scoped3A_18[%rem3A_581, %dma_start3A_594, %dma_start3A_595] : memref<2x1024x16xf32, #tpu.memory_space<vmem>> -> memref<1x1024x16xf32, #tpu.memory_space<vmem>>
            %dma_start3A_597 = tpu.memref_squeeze %dma_start3A_596 : memref<1x1024x16xf32, #tpu.memory_space<vmem>> -> memref<1024x16xf32, #tpu.memory_space<vmem>>
            tpu.enqueue_dma source(%dma_start3A_597 : memref<1024x16xf32, #tpu.memory_space<vmem>>) target(%dma_start3A_593 : memref<1024x16xf32, #tpu.memory_space<hbm>>) target_semaphore(%dma_start3A_591 : memref<!tpu.dma_semaphore, #tpu.memory_space<semaphore_mem>>)
            "tpu.trace_stop"() : () -> ()
          } else {
          }
          %and3A_534 = arith.constant true
          %and3A_535 = arith.andi %or3A_530, %and3A_534 : i1
          %add3A_536 = arith.constant 1 : i32
          %add3A_537 = arith.addi %while3A_145, %add3A_536 : i32
          %select_n3A_538 = arith.select %and3A_535, %add3A_537, %while3A_145 : i32
          %ne3A_539 = arith.cmpi ne, %add3A_155, %add3A_165 : i32
          %or3A_540 = arith.constant false
          %or3A_541 = arith.ori %or3A_540, %ne3A_539 : i1
          %not3A_542 = arith.constant true
          %not3A_543 = arith.xori %eq3A_151, %not3A_542 : i1
          %and3A_544 = arith.andi %or3A_541, %not3A_543 : i1
          %convert_element_type3A_545 = arith.extui %and3A_544 : i1 to i32
          %cond3A_546 = arith.constant 0 : i32
          %cond3A_547 = arith.cmpi ne, %convert_element_type3A_545, %cond3A_546 : i32
          scf.if %cond3A_547 {
          } else {
          }
          %and3A_548 = arith.constant false
          %and3A_549 = arith.andi %and3A_544, %and3A_548 : i1
          %ne3A_550 = arith.cmpi ne, %add3A_155, %add3A_165 : i32
          %or3A_551 = arith.constant false
          %or3A_552 = arith.ori %or3A_551, %ne3A_550 : i1
          %or3A_553 = arith.constant false
          %or3A_554 = arith.ori %or3A_552, %or3A_553 : i1
          %not3A_555 = arith.constant true
          %not3A_556 = arith.xori %eq3A_151, %not3A_555 : i1
          %and3A_557 = arith.andi %or3A_554, %not3A_556 : i1
          %convert_element_type3A_558 = arith.extui %and3A_557 : i1 to i32
          %cond3A_559 = arith.constant 0 : i32
          %cond3A_560 = arith.cmpi ne, %convert_element_type3A_558, %cond3A_559 : i32
          scf.if %cond3A_560 {
            "tpu.trace_start"() <{level = 10 : i32, message = "ep_wait_out"}> : () -> ()
            %rem3A_580 = arith.constant 2 : i32
            %rem3A_581 = arith.remui %while3A_146, %rem3A_580 : i32
            %mul3A_582 = arith.constant 1024 : i32
            %mul3A_583 = arith.muli %mul3A_582, %add3A_165 : i32
            %dma_wait3A_584 = arith.constant 0 : i32
            %dma_wait3A_585 = arith.constant 0 : i32
            %dma_wait3A_586 = tpu.memref_slice %run_scoped3A_18[%rem3A_581, %dma_wait3A_584, %dma_wait3A_585] : memref<2x1024x16xf32, #tpu.memory_space<vmem>> -> memref<1x1024x16xf32, #tpu.memory_space<vmem>>
            %dma_wait3A_587 = tpu.memref_squeeze %dma_wait3A_586 : memref<1x1024x16xf32, #tpu.memory_space<vmem>> -> memref<1024x16xf32, #tpu.memory_space<vmem>>
            %dma_wait3A_588 = arith.constant 0 : i32
            %dma_wait3A_589 = tpu.memref_slice %arg4[%mul3A_583, %dma_wait3A_588] : memref<3200000x16xf32, #tpu.memory_space<hbm>> -> memref<1024x16xf32, #tpu.memory_space<hbm>>
            %dma_wait3A_590 = tpu.memref_slice %run_scoped3A_19[%rem3A_581] : memref<2x!tpu.dma_semaphore, #tpu.memory_space<semaphore_mem>> -> memref<1x!tpu.dma_semaphore, #tpu.memory_space<semaphore_mem>>
            %dma_wait3A_591 = tpu.memref_squeeze %dma_wait3A_590 : memref<1x!tpu.dma_semaphore, #tpu.memory_space<semaphore_mem>> -> memref<!tpu.dma_semaphore, #tpu.memory_space<semaphore_mem>>
            %dma_wait3A_592 = arith.constant 0 : i32
            %dma_wait3A_593 = tpu.memref_slice %arg4[%mul3A_583, %dma_wait3A_592] : memref<3200000x16xf32, #tpu.memory_space<hbm>> -> memref<1024x16xf32, #tpu.memory_space<hbm>>
            %dma_wait3A_594 = arith.constant 0 : i32
            %dma_wait3A_595 = arith.constant 0 : i32
            %dma_wait3A_596 = tpu.memref_slice %run_scoped3A_18[%rem3A_581, %dma_wait3A_594, %dma_wait3A_595] : memref<2x1024x16xf32, #tpu.memory_space<vmem>> -> memref<1x1024x16xf32, #tpu.memory_space<vmem>>
            %dma_wait3A_597 = tpu.memref_squeeze %dma_wait3A_596 : memref<1x1024x16xf32, #tpu.memory_space<vmem>> -> memref<1024x16xf32, #tpu.memory_space<vmem>>
            tpu.wait_dma2 semaphore(%dma_wait3A_591 : memref<!tpu.dma_semaphore, #tpu.memory_space<semaphore_mem>>) src(%dma_wait3A_597 : memref<1024x16xf32, #tpu.memory_space<vmem>>) dst(%dma_wait3A_593 : memref<1024x16xf32, #tpu.memory_space<hbm>>)
            "tpu.trace_stop"() : () -> ()
          } else {
          }
          %and3A_561 = arith.constant true
          %and3A_562 = arith.andi %and3A_557, %and3A_561 : i1
          %add3A_563 = arith.constant 1 : i32
          %add3A_564 = arith.addi %while3A_146, %add3A_563 : i32
          %select_n3A_565 = arith.select %and3A_562, %add3A_564, %while3A_146 : i32
          %ne3A_566 = arith.cmpi ne, %add3A_155, %add3A_173 : i32
          %or3A_567 = arith.constant false
          %or3A_568 = arith.ori %or3A_567, %ne3A_566 : i1
          %or3A_569 = arith.ori %or3A_568, %eq3A_154 : i1
          %add3A_570 = arith.constant 1 : i32
          %add3A_571 = arith.addi %while3A_144, %add3A_570 : i32
          %select_n3A_572 = arith.select %or3A_569, %add3A_571, %while3A_144 : i32
          %add3A_573 = arith.constant 1 : i32
          %add3A_574 = arith.addi %while3A_147, %add3A_573 : i32
          %select_n3A_575 = arith.constant true
          %select_n3A_576 = arith.select %select_n3A_575, %add3A_574, %while3A_147 : i32
          %eq3A_577 = arith.cmpi eq, %select_n3A_576, %select_n3A : i32
          %select_n3A_578 = arith.constant 0 : i32
          %select_n3A_579 = arith.select %eq3A_577, %select_n3A_578, %select_n3A_576 : i32
          scf.yield %select_n3A_195, %select_n3A_572, %select_n3A_538, %select_n3A_565, %select_n3A_579 : i32, i32, i32, i32, i32
        }
        %while3A_89 = arith.constant 1 : i32
        %while3A_90:5 = scf.for %while3A_142 = %while3A_86 to %while3A_82 step %while3A_89 iter_args(%while3A_143 = %while3A_88#0, %while3A_144 = %while3A_88#1, %while3A_145 = %while3A_88#2, %while3A_146 = %while3A_88#3, %while3A_147 = %while3A_88#4) -> (i32, i32, i32, i32, i32)  : i32 {
          %mul3A_148 = arith.constant 1 : i32
          %mul3A_149 = arith.muli %mul3A_148, %select_n3A : i32
          %eq3A_150 = arith.constant 0 : i32
          %eq3A_151 = arith.cmpi eq, %while3A_142, %eq3A_150 : i32
          %sub3A_152 = arith.constant 1 : i32
          %sub3A_153 = arith.subi %mul3A_149, %sub3A_152 : i32
          %eq3A_154 = arith.cmpi eq, %while3A_142, %sub3A_153 : i32
          %add3A_155 = arith.addi %while3A_147, %select_n3A_14 : i32
          %sub3A_156 = arith.constant 1 : i32
          %sub3A_157 = arith.subi %while3A_147, %sub3A_156 : i32
          %select_n3A_158 = arith.constant true
          %select_n3A_159 = arith.select %select_n3A_158, %sub3A_157, %while3A_147 : i32
          %eq3A_160 = arith.constant -1 : i32
          %eq3A_161 = arith.cmpi eq, %select_n3A_159, %eq3A_160 : i32
          %sub3A_162 = arith.constant 1 : i32
          %sub3A_163 = arith.subi %select_n3A, %sub3A_162 : i32
          %select_n3A_164 = arith.select %eq3A_161, %sub3A_163, %select_n3A_159 : i32
          %add3A_165 = arith.addi %select_n3A_164, %select_n3A_14 : i32
          %add3A_166 = arith.constant 1 : i32
          %add3A_167 = arith.addi %while3A_147, %add3A_166 : i32
          %select_n3A_168 = arith.constant true
          %select_n3A_169 = arith.select %select_n3A_168, %add3A_167, %while3A_147 : i32
          %eq3A_170 = arith.cmpi eq, %select_n3A_169, %select_n3A : i32
          %select_n3A_171 = arith.constant 0 : i32
          %select_n3A_172 = arith.select %eq3A_170, %select_n3A_171, %select_n3A_169 : i32
          %add3A_173 = arith.addi %select_n3A_172, %select_n3A_14 : i32
          %add3A_174 = arith.constant 1 : i32
          %add3A_175 = arith.addi %select_n3A_172, %add3A_174 : i32
          %select_n3A_176 = arith.constant true
          %select_n3A_177 = arith.select %select_n3A_176, %add3A_175, %select_n3A_172 : i32
          %eq3A_178 = arith.cmpi eq, %select_n3A_177, %select_n3A : i32
          %select_n3A_179 = arith.constant 0 : i32
          %select_n3A_180 = arith.select %eq3A_178, %select_n3A_179, %select_n3A_177 : i32
          %add3A_181 = arith.addi %select_n3A_180, %select_n3A_14 : i32
          %ne3A = arith.cmpi ne, %add3A_155, %add3A_173 : i32
          %or3A = arith.constant false
          %or3A_182 = arith.ori %or3A, %ne3A : i1
          %sub3A_183 = arith.constant 2 : i32
          %sub3A_184 = arith.subi %mul3A_149, %sub3A_183 : i32
          %add3A_185 = arith.constant 1 : i32
          %add3A_186 = arith.addi %sub3A_184, %add3A_185 : i32
          %ge3A = arith.cmpi sge, %while3A_142, %add3A_186 : i32
          %not3A = arith.constant true
          %not3A_187 = arith.xori %ge3A, %not3A : i1
          %and3A = arith.andi %or3A_182, %not3A_187 : i1
          %convert_element_type3A_188 = arith.extui %and3A : i1 to i32
          %cond3A_189 = arith.constant 0 : i32
          %cond3A_190 = arith.cmpi ne, %convert_element_type3A_188, %cond3A_189 : i32
          scf.if %cond3A_190 {
            "tpu.trace_start"() <{level = 10 : i32, message = "ep_copy_in"}> : () -> ()
            %rem3A_580 = arith.constant 2 : i32
            %rem3A_581 = arith.remui %while3A_143, %rem3A_580 : i32
            %mul3A_582 = arith.constant 1024 : i32
            %mul3A_583 = arith.muli %mul3A_582, %add3A_173 : i32
            %dma_start3A_584 = arith.constant 0 : i32
            %dma_start3A_585 = arith.constant 0 : i32
            %dma_start3A_586 = tpu.memref_slice %run_scoped3A[%rem3A_581, %dma_start3A_584, %dma_start3A_585] : memref<2x1x1024xi32, #tpu.memory_space<vmem>> -> memref<1x1x1024xi32, #tpu.memory_space<vmem>>
            %dma_start3A_587 = tpu.memref_squeeze %dma_start3A_586 : memref<1x1x1024xi32, #tpu.memory_space<vmem>> -> memref<1x1024xi32, #tpu.memory_space<vmem>>
            %dma_start3A_588 = arith.constant 0 : i32
            %dma_start3A_589 = tpu.memref_slice %arg3[%dma_start3A_588, %mul3A_583] : memref<1x3200000xi32, #tpu.memory_space<hbm>> -> memref<1x1024xi32, #tpu.memory_space<hbm>>
            %dma_start3A_590 = tpu.memref_slice %run_scoped3A_17[%rem3A_581] : memref<2x!tpu.dma_semaphore, #tpu.memory_space<semaphore_mem>> -> memref<1x!tpu.dma_semaphore, #tpu.memory_space<semaphore_mem>>
            %dma_start3A_591 = tpu.memref_squeeze %dma_start3A_590 : memref<1x!tpu.dma_semaphore, #tpu.memory_space<semaphore_mem>> -> memref<!tpu.dma_semaphore, #tpu.memory_space<semaphore_mem>>
            %dma_start3A_592 = arith.constant 0 : i32
            %dma_start3A_593 = arith.constant 0 : i32
            %dma_start3A_594 = tpu.memref_slice %run_scoped3A[%rem3A_581, %dma_start3A_592, %dma_start3A_593] : memref<2x1x1024xi32, #tpu.memory_space<vmem>> -> memref<1x1x1024xi32, #tpu.memory_space<vmem>>
            %dma_start3A_595 = tpu.memref_squeeze %dma_start3A_594 : memref<1x1x1024xi32, #tpu.memory_space<vmem>> -> memref<1x1024xi32, #tpu.memory_space<vmem>>
            %dma_start3A_596 = arith.constant 0 : i32
            %dma_start3A_597 = tpu.memref_slice %arg3[%dma_start3A_596, %mul3A_583] : memref<1x3200000xi32, #tpu.memory_space<hbm>> -> memref<1x1024xi32, #tpu.memory_space<hbm>>
            tpu.enqueue_dma source(%dma_start3A_597 : memref<1x1024xi32, #tpu.memory_space<hbm>>) target(%dma_start3A_595 : memref<1x1024xi32, #tpu.memory_space<vmem>>) target_semaphore(%dma_start3A_591 : memref<!tpu.dma_semaphore, #tpu.memory_space<semaphore_mem>>)
            "tpu.trace_stop"() : () -> ()
          } else {
          }
          %and3A_191 = arith.constant true
          %and3A_192 = arith.andi %and3A, %and3A_191 : i1
          %add3A_193 = arith.constant 1 : i32
          %add3A_194 = arith.addi %while3A_143, %add3A_193 : i32
          %select_n3A_195 = arith.select %and3A_192, %add3A_194, %while3A_143 : i32
          %ne3A_196 = arith.cmpi ne, %add3A_155, %add3A_173 : i32
          %or3A_197 = arith.constant false
          %or3A_198 = arith.ori %or3A_197, %ne3A_196 : i1
          %or3A_199 = arith.constant false
          %or3A_200 = arith.ori %or3A_198, %or3A_199 : i1
          %sub3A_201 = arith.constant 2 : i32
          %sub3A_202 = arith.subi %mul3A_149, %sub3A_201 : i32
          %add3A_203 = arith.constant 1 : i32
          %add3A_204 = arith.addi %sub3A_202, %add3A_203 : i32
          %ge3A_205 = arith.cmpi sge, %while3A_142, %add3A_204 : i32
          %not3A_206 = arith.constant true
          %not3A_207 = arith.xori %ge3A_205, %not3A_206 : i1
          %and3A_208 = arith.andi %or3A_200, %not3A_207 : i1
          %ne3A_209 = arith.cmpi ne, %add3A_155, %add3A_165 : i32
          %or3A_210 = arith.constant false
          %or3A_211 = arith.ori %or3A_210, %ne3A_209 : i1
          %or3A_212 = arith.ori %or3A_211, %eq3A_151 : i1
          %convert_element_type3A_213 = arith.extui %or3A_212 : i1 to i32
          %cond3A_214 = arith.constant 0 : i32
          %cond3A_215 = arith.cmpi ne, %convert_element_type3A_213, %cond3A_214 : i32
          scf.if %cond3A_215 {
            "tpu.trace_start"() <{level = 10 : i32, message = "ep_wait_in"}> : () -> ()
            %mul3A_580 = arith.constant 1024 : i32
            %mul3A_581 = arith.muli %mul3A_580, %add3A_155 : i32
            %rem3A_582 = arith.constant 2 : i32
            %rem3A_583 = arith.remui %while3A_144, %rem3A_582 : i32
            %dma_wait3A_584 = arith.constant 0 : i32
            %dma_wait3A_585 = arith.constant 0 : i32
            %dma_wait3A_586 = tpu.memref_slice %run_scoped3A[%rem3A_583, %dma_wait3A_584, %dma_wait3A_585] : memref<2x1x1024xi32, #tpu.memory_space<vmem>> -> memref<1x1x1024xi32, #tpu.memory_space<vmem>>
            %dma_wait3A_587 = tpu.memref_squeeze %dma_wait3A_586 : memref<1x1x1024xi32, #tpu.memory_space<vmem>> -> memref<1x1024xi32, #tpu.memory_space<vmem>>
            %dma_wait3A_588 = arith.constant 0 : i32
            %dma_wait3A_589 = tpu.memref_slice %arg3[%dma_wait3A_588, %mul3A_581] : memref<1x3200000xi32, #tpu.memory_space<hbm>> -> memref<1x1024xi32, #tpu.memory_space<hbm>>
            %dma_wait3A_590 = tpu.memref_slice %run_scoped3A_17[%rem3A_583] : memref<2x!tpu.dma_semaphore, #tpu.memory_space<semaphore_mem>> -> memref<1x!tpu.dma_semaphore, #tpu.memory_space<semaphore_mem>>
            %dma_wait3A_591 = tpu.memref_squeeze %dma_wait3A_590 : memref<1x!tpu.dma_semaphore, #tpu.memory_space<semaphore_mem>> -> memref<!tpu.dma_semaphore, #tpu.memory_space<semaphore_mem>>
            %dma_wait3A_592 = arith.constant 0 : i32
            %dma_wait3A_593 = arith.constant 0 : i32
            %dma_wait3A_594 = tpu.memref_slice %run_scoped3A[%rem3A_583, %dma_wait3A_592, %dma_wait3A_593] : memref<2x1x1024xi32, #tpu.memory_space<vmem>> -> memref<1x1x1024xi32, #tpu.memory_space<vmem>>
            %dma_wait3A_595 = tpu.memref_squeeze %dma_wait3A_594 : memref<1x1x1024xi32, #tpu.memory_space<vmem>> -> memref<1x1024xi32, #tpu.memory_space<vmem>>
            %dma_wait3A_596 = arith.constant 0 : i32
            %dma_wait3A_597 = tpu.memref_slice %arg3[%dma_wait3A_596, %mul3A_581] : memref<1x3200000xi32, #tpu.memory_space<hbm>> -> memref<1x1024xi32, #tpu.memory_space<hbm>>
            tpu.wait_dma2 semaphore(%dma_wait3A_591 : memref<!tpu.dma_semaphore, #tpu.memory_space<semaphore_mem>>) src(%dma_wait3A_597 : memref<1x1024xi32, #tpu.memory_space<hbm>>) dst(%dma_wait3A_595 : memref<1x1024xi32, #tpu.memory_space<vmem>>)
            "tpu.trace_stop"() : () -> ()
          } else {
          }
          %ne3A_216 = arith.cmpi ne, %add3A_155, %add3A_165 : i32
          %or3A_217 = arith.constant false
          %or3A_218 = arith.ori %or3A_217, %ne3A_216 : i1
          %or3A_219 = arith.constant false
          %or3A_220 = arith.ori %or3A_218, %or3A_219 : i1
          %or3A_221 = arith.ori %or3A_220, %eq3A_151 : i1
          %convert_element_type3A_222 = arith.extui %or3A_221 : i1 to i32
          %cond3A_223 = arith.constant 0 : i32
          %cond3A_224 = arith.cmpi ne, %convert_element_type3A_222, %cond3A_223 : i32
          scf.if %cond3A_224 {
          } else {
          }
          %rem3A_225 = arith.constant 2 : i32
          %rem3A_226 = arith.remui %while3A_144, %rem3A_225 : i32
          %rem3A_227 = arith.constant 2 : i32
          %rem3A_228 = arith.remui %while3A_145, %rem3A_227 : i32
          %dma_start3A_229 = arith.constant 0 : i32
          "tpu.trace_start"() <{level = 10 : i32, message = "ep_run_kernel"}> : () -> ()
          %dma_start3A_230 = arith.constant 0 : i32
          %dma_start3A_231 = arith.constant 0 : i32
          %dma_start3A_232 = tpu.memref_slice %run_scoped3A_18[%rem3A_228, %dma_start3A_230, %dma_start3A_231] : memref<2x1024x16xf32, #tpu.memory_space<vmem>> -> memref<1x1024x16xf32, #tpu.memory_space<vmem>>
          %dma_start3A_233 = tpu.memref_squeeze %dma_start3A_232 : memref<1x1024x16xf32, #tpu.memory_space<vmem>> -> memref<1024x16xf32, #tpu.memory_space<vmem>>
          %dma_start3A_234 = arith.constant 0 : i32
          %dma_start3A_235 = arith.constant 0 : i32
          %dma_start3A_236 = tpu.memref_slice %dma_start3A_233[%dma_start3A_234, %dma_start3A_235] : memref<1024x16xf32, #tpu.memory_space<vmem>> -> memref<128x16xf32, #tpu.memory_space<vmem>>
          %dma_start3A_237 = arith.constant 0 : i32
          %dma_start3A_238 = arith.constant 0 : i32
          %dma_start3A_239 = tpu.memref_slice %run_scoped3A[%rem3A_226, %dma_start3A_237, %dma_start3A_238] : memref<2x1x1024xi32, #tpu.memory_space<vmem>> -> memref<1x1x1024xi32, #tpu.memory_space<vmem>>
          %dma_start3A_240 = tpu.memref_squeeze %dma_start3A_239 : memref<1x1x1024xi32, #tpu.memory_space<vmem>> -> memref<1x1024xi32, #tpu.memory_space<vmem>>
          %dma_start3A_241 = arith.constant 0 : i32
          %dma_start3A_242 = tpu.memref_slice %dma_start3A_240[%dma_start3A_229, %dma_start3A_241] : memref<1x1024xi32, #tpu.memory_space<vmem>> -> memref<1x128xi32, #tpu.memory_space<vmem>>
          %dma_start3A_243 = tpu.memref_squeeze %dma_start3A_242 : memref<1x128xi32, #tpu.memory_space<vmem>> -> memref<128xi32, #tpu.memory_space<vmem>>
          %dma_start3A_244 = arith.constant 0 : i32
          %dma_start3A_245 = arith.constant 0 : i32
          %dma_start3A_246 = tpu.memref_slice %arg2[%dma_start3A_244, %dma_start3A_245] : memref<100000x16xf32, #tpu.memory_space<hbm>> -> memref<100000x16xf32, #tpu.memory_space<hbm>>
          tpu.enqueue_indirect_dma source(%dma_start3A_246 : memref<100000x16xf32, #tpu.memory_space<hbm>>) target(%dma_start3A_236 : memref<128x16xf32, #tpu.memory_space<vmem>>) offsets(%dma_start3A_243 : memref<128xi32, #tpu.memory_space<vmem>>) semaphore(%arg5 : memref<!tpu.dma_semaphore, #tpu.memory_space<semaphore_mem>>)
          %dma_start3A_247 = arith.constant 0 : i32
          %dma_start3A_248 = arith.constant 0 : i32
          %dma_start3A_249 = arith.constant 0 : i32
          %dma_start3A_250 = tpu.memref_slice %run_scoped3A_18[%rem3A_228, %dma_start3A_248, %dma_start3A_249] : memref<2x1024x16xf32, #tpu.memory_space<vmem>> -> memref<1x1024x16xf32, #tpu.memory_space<vmem>>
          %dma_start3A_251 = tpu.memref_squeeze %dma_start3A_250 : memref<1x1024x16xf32, #tpu.memory_space<vmem>> -> memref<1024x16xf32, #tpu.memory_space<vmem>>
          %dma_start3A_252 = arith.constant 128 : i32
          %dma_start3A_253 = arith.constant 0 : i32
          %dma_start3A_254 = tpu.memref_slice %dma_start3A_251[%dma_start3A_252, %dma_start3A_253] : memref<1024x16xf32, #tpu.memory_space<vmem>> -> memref<128x16xf32, #tpu.memory_space<vmem>>
          %dma_start3A_255 = arith.constant 0 : i32
          %dma_start3A_256 = arith.constant 0 : i32
          %dma_start3A_257 = tpu.memref_slice %run_scoped3A[%rem3A_226, %dma_start3A_255, %dma_start3A_256] : memref<2x1x1024xi32, #tpu.memory_space<vmem>> -> memref<1x1x1024xi32, #tpu.memory_space<vmem>>
          %dma_start3A_258 = tpu.memref_squeeze %dma_start3A_257 : memref<1x1x1024xi32, #tpu.memory_space<vmem>> -> memref<1x1024xi32, #tpu.memory_space<vmem>>
          %dma_start3A_259 = arith.constant 128 : i32
          %dma_start3A_260 = tpu.memref_slice %dma_start3A_258[%dma_start3A_247, %dma_start3A_259] : memref<1x1024xi32, #tpu.memory_space<vmem>> -> memref<1x128xi32, #tpu.memory_space<vmem>>
          %dma_start3A_261 = tpu.memref_squeeze %dma_start3A_260 : memref<1x128xi32, #tpu.memory_space<vmem>> -> memref<128xi32, #tpu.memory_space<vmem>>
          %dma_start3A_262 = arith.constant 0 : i32
          %dma_start3A_263 = arith.constant 0 : i32
          %dma_start3A_264 = tpu.memref_slice %arg2[%dma_start3A_262, %dma_start3A_263] : memref<100000x16xf32, #tpu.memory_space<hbm>> -> memref<100000x16xf32, #tpu.memory_space<hbm>>
          tpu.enqueue_indirect_dma source(%dma_start3A_264 : memref<100000x16xf32, #tpu.memory_space<hbm>>) target(%dma_start3A_254 : memref<128x16xf32, #tpu.memory_space<vmem>>) offsets(%dma_start3A_261 : memref<128xi32, #tpu.memory_space<vmem>>) semaphore(%arg5 : memref<!tpu.dma_semaphore, #tpu.memory_space<semaphore_mem>>)
          %dma_start3A_265 = arith.constant 0 : i32
          %dma_start3A_266 = arith.constant 0 : i32
          %dma_start3A_267 = arith.constant 0 : i32
          %dma_start3A_268 = tpu.memref_slice %run_scoped3A_18[%rem3A_228, %dma_start3A_266, %dma_start3A_267] : memref<2x1024x16xf32, #tpu.memory_space<vmem>> -> memref<1x1024x16xf32, #tpu.memory_space<vmem>>
          %dma_start3A_269 = tpu.memref_squeeze %dma_start3A_268 : memref<1x1024x16xf32, #tpu.memory_space<vmem>> -> memref<1024x16xf32, #tpu.memory_space<vmem>>
          %dma_start3A_270 = arith.constant 256 : i32
          %dma_start3A_271 = arith.constant 0 : i32
          %dma_start3A_272 = tpu.memref_slice %dma_start3A_269[%dma_start3A_270, %dma_start3A_271] : memref<1024x16xf32, #tpu.memory_space<vmem>> -> memref<128x16xf32, #tpu.memory_space<vmem>>
          %dma_start3A_273 = arith.constant 0 : i32
          %dma_start3A_274 = arith.constant 0 : i32
          %dma_start3A_275 = tpu.memref_slice %run_scoped3A[%rem3A_226, %dma_start3A_273, %dma_start3A_274] : memref<2x1x1024xi32, #tpu.memory_space<vmem>> -> memref<1x1x1024xi32, #tpu.memory_space<vmem>>
          %dma_start3A_276 = tpu.memref_squeeze %dma_start3A_275 : memref<1x1x1024xi32, #tpu.memory_space<vmem>> -> memref<1x1024xi32, #tpu.memory_space<vmem>>
          %dma_start3A_277 = arith.constant 256 : i32
          %dma_start3A_278 = tpu.memref_slice %dma_start3A_276[%dma_start3A_265, %dma_start3A_277] : memref<1x1024xi32, #tpu.memory_space<vmem>> -> memref<1x128xi32, #tpu.memory_space<vmem>>
          %dma_start3A_279 = tpu.memref_squeeze %dma_start3A_278 : memref<1x128xi32, #tpu.memory_space<vmem>> -> memref<128xi32, #tpu.memory_space<vmem>>
          %dma_start3A_280 = arith.constant 0 : i32
          %dma_start3A_281 = arith.constant 0 : i32
          %dma_start3A_282 = tpu.memref_slice %arg2[%dma_start3A_280, %dma_start3A_281] : memref<100000x16xf32, #tpu.memory_space<hbm>> -> memref<100000x16xf32, #tpu.memory_space<hbm>>
          tpu.enqueue_indirect_dma source(%dma_start3A_282 : memref<100000x16xf32, #tpu.memory_space<hbm>>) target(%dma_start3A_272 : memref<128x16xf32, #tpu.memory_space<vmem>>) offsets(%dma_start3A_279 : memref<128xi32, #tpu.memory_space<vmem>>) semaphore(%arg5 : memref<!tpu.dma_semaphore, #tpu.memory_space<semaphore_mem>>)
          %dma_start3A_283 = arith.constant 0 : i32
          %dma_start3A_284 = arith.constant 0 : i32
          %dma_start3A_285 = arith.constant 0 : i32
          %dma_start3A_286 = tpu.memref_slice %run_scoped3A_18[%rem3A_228, %dma_start3A_284, %dma_start3A_285] : memref<2x1024x16xf32, #tpu.memory_space<vmem>> -> memref<1x1024x16xf32, #tpu.memory_space<vmem>>
          %dma_start3A_287 = tpu.memref_squeeze %dma_start3A_286 : memref<1x1024x16xf32, #tpu.memory_space<vmem>> -> memref<1024x16xf32, #tpu.memory_space<vmem>>
          %dma_start3A_288 = arith.constant 384 : i32
          %dma_start3A_289 = arith.constant 0 : i32
          %dma_start3A_290 = tpu.memref_slice %dma_start3A_287[%dma_start3A_288, %dma_start3A_289] : memref<1024x16xf32, #tpu.memory_space<vmem>> -> memref<128x16xf32, #tpu.memory_space<vmem>>
          %dma_start3A_291 = arith.constant 0 : i32
          %dma_start3A_292 = arith.constant 0 : i32
          %dma_start3A_293 = tpu.memref_slice %run_scoped3A[%rem3A_226, %dma_start3A_291, %dma_start3A_292] : memref<2x1x1024xi32, #tpu.memory_space<vmem>> -> memref<1x1x1024xi32, #tpu.memory_space<vmem>>
          %dma_start3A_294 = tpu.memref_squeeze %dma_start3A_293 : memref<1x1x1024xi32, #tpu.memory_space<vmem>> -> memref<1x1024xi32, #tpu.memory_space<vmem>>
          %dma_start3A_295 = arith.constant 384 : i32
          %dma_start3A_296 = tpu.memref_slice %dma_start3A_294[%dma_start3A_283, %dma_start3A_295] : memref<1x1024xi32, #tpu.memory_space<vmem>> -> memref<1x128xi32, #tpu.memory_space<vmem>>
          %dma_start3A_297 = tpu.memref_squeeze %dma_start3A_296 : memref<1x128xi32, #tpu.memory_space<vmem>> -> memref<128xi32, #tpu.memory_space<vmem>>
          %dma_start3A_298 = arith.constant 0 : i32
          %dma_start3A_299 = arith.constant 0 : i32
          %dma_start3A_300 = tpu.memref_slice %arg2[%dma_start3A_298, %dma_start3A_299] : memref<100000x16xf32, #tpu.memory_space<hbm>> -> memref<100000x16xf32, #tpu.memory_space<hbm>>
          tpu.enqueue_indirect_dma source(%dma_start3A_300 : memref<100000x16xf32, #tpu.memory_space<hbm>>) target(%dma_start3A_290 : memref<128x16xf32, #tpu.memory_space<vmem>>) offsets(%dma_start3A_297 : memref<128xi32, #tpu.memory_space<vmem>>) semaphore(%arg5 : memref<!tpu.dma_semaphore, #tpu.memory_space<semaphore_mem>>)
          %dma_start3A_301 = arith.constant 0 : i32
          %dma_start3A_302 = arith.constant 0 : i32
          %dma_start3A_303 = arith.constant 0 : i32
          %dma_start3A_304 = tpu.memref_slice %run_scoped3A_18[%rem3A_228, %dma_start3A_302, %dma_start3A_303] : memref<2x1024x16xf32, #tpu.memory_space<vmem>> -> memref<1x1024x16xf32, #tpu.memory_space<vmem>>
          %dma_start3A_305 = tpu.memref_squeeze %dma_start3A_304 : memref<1x1024x16xf32, #tpu.memory_space<vmem>> -> memref<1024x16xf32, #tpu.memory_space<vmem>>
          %dma_start3A_306 = arith.constant 512 : i32
          %dma_start3A_307 = arith.constant 0 : i32
          %dma_start3A_308 = tpu.memref_slice %dma_start3A_305[%dma_start3A_306, %dma_start3A_307] : memref<1024x16xf32, #tpu.memory_space<vmem>> -> memref<128x16xf32, #tpu.memory_space<vmem>>
          %dma_start3A_309 = arith.constant 0 : i32
          %dma_start3A_310 = arith.constant 0 : i32
          %dma_start3A_311 = tpu.memref_slice %run_scoped3A[%rem3A_226, %dma_start3A_309, %dma_start3A_310] : memref<2x1x1024xi32, #tpu.memory_space<vmem>> -> memref<1x1x1024xi32, #tpu.memory_space<vmem>>
          %dma_start3A_312 = tpu.memref_squeeze %dma_start3A_311 : memref<1x1x1024xi32, #tpu.memory_space<vmem>> -> memref<1x1024xi32, #tpu.memory_space<vmem>>
          %dma_start3A_313 = arith.constant 512 : i32
          %dma_start3A_314 = tpu.memref_slice %dma_start3A_312[%dma_start3A_301, %dma_start3A_313] : memref<1x1024xi32, #tpu.memory_space<vmem>> -> memref<1x128xi32, #tpu.memory_space<vmem>>
          %dma_start3A_315 = tpu.memref_squeeze %dma_start3A_314 : memref<1x128xi32, #tpu.memory_space<vmem>> -> memref<128xi32, #tpu.memory_space<vmem>>
          %dma_start3A_316 = arith.constant 0 : i32
          %dma_start3A_317 = arith.constant 0 : i32
          %dma_start3A_318 = tpu.memref_slice %arg2[%dma_start3A_316, %dma_start3A_317] : memref<100000x16xf32, #tpu.memory_space<hbm>> -> memref<100000x16xf32, #tpu.memory_space<hbm>>
          tpu.enqueue_indirect_dma source(%dma_start3A_318 : memref<100000x16xf32, #tpu.memory_space<hbm>>) target(%dma_start3A_308 : memref<128x16xf32, #tpu.memory_space<vmem>>) offsets(%dma_start3A_315 : memref<128xi32, #tpu.memory_space<vmem>>) semaphore(%arg5 : memref<!tpu.dma_semaphore, #tpu.memory_space<semaphore_mem>>)
          %dma_start3A_319 = arith.constant 0 : i32
          %dma_start3A_320 = arith.constant 0 : i32
          %dma_start3A_321 = arith.constant 0 : i32
          %dma_start3A_322 = tpu.memref_slice %run_scoped3A_18[%rem3A_228, %dma_start3A_320, %dma_start3A_321] : memref<2x1024x16xf32, #tpu.memory_space<vmem>> -> memref<1x1024x16xf32, #tpu.memory_space<vmem>>
          %dma_start3A_323 = tpu.memref_squeeze %dma_start3A_322 : memref<1x1024x16xf32, #tpu.memory_space<vmem>> -> memref<1024x16xf32, #tpu.memory_space<vmem>>
          %dma_start3A_324 = arith.constant 640 : i32
          %dma_start3A_325 = arith.constant 0 : i32
          %dma_start3A_326 = tpu.memref_slice %dma_start3A_323[%dma_start3A_324, %dma_start3A_325] : memref<1024x16xf32, #tpu.memory_space<vmem>> -> memref<128x16xf32, #tpu.memory_space<vmem>>
          %dma_start3A_327 = arith.constant 0 : i32
          %dma_start3A_328 = arith.constant 0 : i32
          %dma_start3A_329 = tpu.memref_slice %run_scoped3A[%rem3A_226, %dma_start3A_327, %dma_start3A_328] : memref<2x1x1024xi32, #tpu.memory_space<vmem>> -> memref<1x1x1024xi32, #tpu.memory_space<vmem>>
          %dma_start3A_330 = tpu.memref_squeeze %dma_start3A_329 : memref<1x1x1024xi32, #tpu.memory_space<vmem>> -> memref<1x1024xi32, #tpu.memory_space<vmem>>
          %dma_start3A_331 = arith.constant 640 : i32
          %dma_start3A_332 = tpu.memref_slice %dma_start3A_330[%dma_start3A_319, %dma_start3A_331] : memref<1x1024xi32, #tpu.memory_space<vmem>> -> memref<1x128xi32, #tpu.memory_space<vmem>>
          %dma_start3A_333 = tpu.memref_squeeze %dma_start3A_332 : memref<1x128xi32, #tpu.memory_space<vmem>> -> memref<128xi32, #tpu.memory_space<vmem>>
          %dma_start3A_334 = arith.constant 0 : i32
          %dma_start3A_335 = arith.constant 0 : i32
          %dma_start3A_336 = tpu.memref_slice %arg2[%dma_start3A_334, %dma_start3A_335] : memref<100000x16xf32, #tpu.memory_space<hbm>> -> memref<100000x16xf32, #tpu.memory_space<hbm>>
          tpu.enqueue_indirect_dma source(%dma_start3A_336 : memref<100000x16xf32, #tpu.memory_space<hbm>>) target(%dma_start3A_326 : memref<128x16xf32, #tpu.memory_space<vmem>>) offsets(%dma_start3A_333 : memref<128xi32, #tpu.memory_space<vmem>>) semaphore(%arg5 : memref<!tpu.dma_semaphore, #tpu.memory_space<semaphore_mem>>)
          %dma_start3A_337 = arith.constant 0 : i32
          %dma_start3A_338 = arith.constant 0 : i32
          %dma_start3A_339 = arith.constant 0 : i32
          %dma_start3A_340 = tpu.memref_slice %run_scoped3A_18[%rem3A_228, %dma_start3A_338, %dma_start3A_339] : memref<2x1024x16xf32, #tpu.memory_space<vmem>> -> memref<1x1024x16xf32, #tpu.memory_space<vmem>>
          %dma_start3A_341 = tpu.memref_squeeze %dma_start3A_340 : memref<1x1024x16xf32, #tpu.memory_space<vmem>> -> memref<1024x16xf32, #tpu.memory_space<vmem>>
          %dma_start3A_342 = arith.constant 768 : i32
          %dma_start3A_343 = arith.constant 0 : i32
          %dma_start3A_344 = tpu.memref_slice %dma_start3A_341[%dma_start3A_342, %dma_start3A_343] : memref<1024x16xf32, #tpu.memory_space<vmem>> -> memref<128x16xf32, #tpu.memory_space<vmem>>
          %dma_start3A_345 = arith.constant 0 : i32
          %dma_start3A_346 = arith.constant 0 : i32
          %dma_start3A_347 = tpu.memref_slice %run_scoped3A[%rem3A_226, %dma_start3A_345, %dma_start3A_346] : memref<2x1x1024xi32, #tpu.memory_space<vmem>> -> memref<1x1x1024xi32, #tpu.memory_space<vmem>>
          %dma_start3A_348 = tpu.memref_squeeze %dma_start3A_347 : memref<1x1x1024xi32, #tpu.memory_space<vmem>> -> memref<1x1024xi32, #tpu.memory_space<vmem>>
          %dma_start3A_349 = arith.constant 768 : i32
          %dma_start3A_350 = tpu.memref_slice %dma_start3A_348[%dma_start3A_337, %dma_start3A_349] : memref<1x1024xi32, #tpu.memory_space<vmem>> -> memref<1x128xi32, #tpu.memory_space<vmem>>
          %dma_start3A_351 = tpu.memref_squeeze %dma_start3A_350 : memref<1x128xi32, #tpu.memory_space<vmem>> -> memref<128xi32, #tpu.memory_space<vmem>>
          %dma_start3A_352 = arith.constant 0 : i32
          %dma_start3A_353 = arith.constant 0 : i32
          %dma_start3A_354 = tpu.memref_slice %arg2[%dma_start3A_352, %dma_start3A_353] : memref<100000x16xf32, #tpu.memory_space<hbm>> -> memref<100000x16xf32, #tpu.memory_space<hbm>>
          tpu.enqueue_indirect_dma source(%dma_start3A_354 : memref<100000x16xf32, #tpu.memory_space<hbm>>) target(%dma_start3A_344 : memref<128x16xf32, #tpu.memory_space<vmem>>) offsets(%dma_start3A_351 : memref<128xi32, #tpu.memory_space<vmem>>) semaphore(%arg5 : memref<!tpu.dma_semaphore, #tpu.memory_space<semaphore_mem>>)
          %dma_start3A_355 = arith.constant 0 : i32
          %dma_start3A_356 = arith.constant 0 : i32
          %dma_start3A_357 = arith.constant 0 : i32
          %dma_start3A_358 = tpu.memref_slice %run_scoped3A_18[%rem3A_228, %dma_start3A_356, %dma_start3A_357] : memref<2x1024x16xf32, #tpu.memory_space<vmem>> -> memref<1x1024x16xf32, #tpu.memory_space<vmem>>
          %dma_start3A_359 = tpu.memref_squeeze %dma_start3A_358 : memref<1x1024x16xf32, #tpu.memory_space<vmem>> -> memref<1024x16xf32, #tpu.memory_space<vmem>>
          %dma_start3A_360 = arith.constant 896 : i32
          %dma_start3A_361 = arith.constant 0 : i32
          %dma_start3A_362 = tpu.memref_slice %dma_start3A_359[%dma_start3A_360, %dma_start3A_361] : memref<1024x16xf32, #tpu.memory_space<vmem>> -> memref<128x16xf32, #tpu.memory_space<vmem>>
          %dma_start3A_363 = arith.constant 0 : i32
          %dma_start3A_364 = arith.constant 0 : i32
          %dma_start3A_365 = tpu.memref_slice %run_scoped3A[%rem3A_226, %dma_start3A_363, %dma_start3A_364] : memref<2x1x1024xi32, #tpu.memory_space<vmem>> -> memref<1x1x1024xi32, #tpu.memory_space<vmem>>
          %dma_start3A_366 = tpu.memref_squeeze %dma_start3A_365 : memref<1x1x1024xi32, #tpu.memory_space<vmem>> -> memref<1x1024xi32, #tpu.memory_space<vmem>>
          %dma_start3A_367 = arith.constant 896 : i32
          %dma_start3A_368 = tpu.memref_slice %dma_start3A_366[%dma_start3A_355, %dma_start3A_367] : memref<1x1024xi32, #tpu.memory_space<vmem>> -> memref<1x128xi32, #tpu.memory_space<vmem>>
          %dma_start3A_369 = tpu.memref_squeeze %dma_start3A_368 : memref<1x128xi32, #tpu.memory_space<vmem>> -> memref<128xi32, #tpu.memory_space<vmem>>
          %dma_start3A_370 = arith.constant 0 : i32
          %dma_start3A_371 = arith.constant 0 : i32
          %dma_start3A_372 = tpu.memref_slice %arg2[%dma_start3A_370, %dma_start3A_371] : memref<100000x16xf32, #tpu.memory_space<hbm>> -> memref<100000x16xf32, #tpu.memory_space<hbm>>
          tpu.enqueue_indirect_dma source(%dma_start3A_372 : memref<100000x16xf32, #tpu.memory_space<hbm>>) target(%dma_start3A_362 : memref<128x16xf32, #tpu.memory_space<vmem>>) offsets(%dma_start3A_369 : memref<128xi32, #tpu.memory_space<vmem>>) semaphore(%arg5 : memref<!tpu.dma_semaphore, #tpu.memory_space<semaphore_mem>>)
          %dma_wait3A = arith.constant 0 : i32
          %dma_wait3A_373 = arith.constant 0 : i32
          %dma_wait3A_374 = arith.constant 0 : i32
          %dma_wait3A_375 = tpu.memref_slice %run_scoped3A_18[%rem3A_228, %dma_wait3A_373, %dma_wait3A_374] : memref<2x1024x16xf32, #tpu.memory_space<vmem>> -> memref<1x1024x16xf32, #tpu.memory_space<vmem>>
          %dma_wait3A_376 = tpu.memref_squeeze %dma_wait3A_375 : memref<1x1024x16xf32, #tpu.memory_space<vmem>> -> memref<1024x16xf32, #tpu.memory_space<vmem>>
          %dma_wait3A_377 = arith.constant 0 : i32
          %dma_wait3A_378 = arith.constant 0 : i32
          %dma_wait3A_379 = tpu.memref_slice %dma_wait3A_376[%dma_wait3A_377, %dma_wait3A_378] : memref<1024x16xf32, #tpu.memory_space<vmem>> -> memref<128x16xf32, #tpu.memory_space<vmem>>
          %dma_wait3A_380 = arith.constant 0 : i32
          %dma_wait3A_381 = arith.constant 0 : i32
          %dma_wait3A_382 = tpu.memref_slice %run_scoped3A[%rem3A_226, %dma_wait3A_380, %dma_wait3A_381] : memref<2x1x1024xi32, #tpu.memory_space<vmem>> -> memref<1x1x1024xi32, #tpu.memory_space<vmem>>
          %dma_wait3A_383 = tpu.memref_squeeze %dma_wait3A_382 : memref<1x1x1024xi32, #tpu.memory_space<vmem>> -> memref<1x1024xi32, #tpu.memory_space<vmem>>
          %dma_wait3A_384 = arith.constant 0 : i32
          %dma_wait3A_385 = tpu.memref_slice %dma_wait3A_383[%dma_wait3A, %dma_wait3A_384] : memref<1x1024xi32, #tpu.memory_space<vmem>> -> memref<1x128xi32, #tpu.memory_space<vmem>>
          %dma_wait3A_386 = tpu.memref_squeeze %dma_wait3A_385 : memref<1x128xi32, #tpu.memory_space<vmem>> -> memref<128xi32, #tpu.memory_space<vmem>>
          %dma_wait3A_387 = arith.constant 0 : i32
          %dma_wait3A_388 = arith.constant 0 : i32
          %dma_wait3A_389 = tpu.memref_slice %arg2[%dma_wait3A_387, %dma_wait3A_388] : memref<100000x16xf32, #tpu.memory_space<hbm>> -> memref<100000x16xf32, #tpu.memory_space<hbm>>
          tpu.wait_indirect_dma semaphore(%arg5 : memref<!tpu.dma_semaphore, #tpu.memory_space<semaphore_mem>>) src(%dma_wait3A_389 : memref<100000x16xf32, #tpu.memory_space<hbm>>) dst(%dma_wait3A_379 : memref<128x16xf32, #tpu.memory_space<vmem>>)
          %dma_wait3A_390 = arith.constant 0 : i32
          %dma_wait3A_391 = arith.constant 0 : i32
          %dma_wait3A_392 = arith.constant 0 : i32
          %dma_wait3A_393 = tpu.memref_slice %run_scoped3A_18[%rem3A_228, %dma_wait3A_391, %dma_wait3A_392] : memref<2x1024x16xf32, #tpu.memory_space<vmem>> -> memref<1x1024x16xf32, #tpu.memory_space<vmem>>
          %dma_wait3A_394 = tpu.memref_squeeze %dma_wait3A_393 : memref<1x1024x16xf32, #tpu.memory_space<vmem>> -> memref<1024x16xf32, #tpu.memory_space<vmem>>
          %dma_wait3A_395 = arith.constant 128 : i32
          %dma_wait3A_396 = arith.constant 0 : i32
          %dma_wait3A_397 = tpu.memref_slice %dma_wait3A_394[%dma_wait3A_395, %dma_wait3A_396] : memref<1024x16xf32, #tpu.memory_space<vmem>> -> memref<128x16xf32, #tpu.memory_space<vmem>>
          %dma_wait3A_398 = arith.constant 0 : i32
          %dma_wait3A_399 = arith.constant 0 : i32
          %dma_wait3A_400 = tpu.memref_slice %run_scoped3A[%rem3A_226, %dma_wait3A_398, %dma_wait3A_399] : memref<2x1x1024xi32, #tpu.memory_space<vmem>> -> memref<1x1x1024xi32, #tpu.memory_space<vmem>>
          %dma_wait3A_401 = tpu.memref_squeeze %dma_wait3A_400 : memref<1x1x1024xi32, #tpu.memory_space<vmem>> -> memref<1x1024xi32, #tpu.memory_space<vmem>>
          %dma_wait3A_402 = arith.constant 128 : i32
          %dma_wait3A_403 = tpu.memref_slice %dma_wait3A_401[%dma_wait3A_390, %dma_wait3A_402] : memref<1x1024xi32, #tpu.memory_space<vmem>> -> memref<1x128xi32, #tpu.memory_space<vmem>>
          %dma_wait3A_404 = tpu.memref_squeeze %dma_wait3A_403 : memref<1x128xi32, #tpu.memory_space<vmem>> -> memref<128xi32, #tpu.memory_space<vmem>>
          %dma_wait3A_405 = arith.constant 0 : i32
          %dma_wait3A_406 = arith.constant 0 : i32
          %dma_wait3A_407 = tpu.memref_slice %arg2[%dma_wait3A_405, %dma_wait3A_406] : memref<100000x16xf32, #tpu.memory_space<hbm>> -> memref<100000x16xf32, #tpu.memory_space<hbm>>
          tpu.wait_indirect_dma semaphore(%arg5 : memref<!tpu.dma_semaphore, #tpu.memory_space<semaphore_mem>>) src(%dma_wait3A_407 : memref<100000x16xf32, #tpu.memory_space<hbm>>) dst(%dma_wait3A_397 : memref<128x16xf32, #tpu.memory_space<vmem>>)
          %dma_wait3A_408 = arith.constant 0 : i32
          %dma_wait3A_409 = arith.constant 0 : i32
          %dma_wait3A_410 = arith.constant 0 : i32
          %dma_wait3A_411 = tpu.memref_slice %run_scoped3A_18[%rem3A_228, %dma_wait3A_409, %dma_wait3A_410] : memref<2x1024x16xf32, #tpu.memory_space<vmem>> -> memref<1x1024x16xf32, #tpu.memory_space<vmem>>
          %dma_wait3A_412 = tpu.memref_squeeze %dma_wait3A_411 : memref<1x1024x16xf32, #tpu.memory_space<vmem>> -> memref<1024x16xf32, #tpu.memory_space<vmem>>
          %dma_wait3A_413 = arith.constant 256 : i32
          %dma_wait3A_414 = arith.constant 0 : i32
          %dma_wait3A_415 = tpu.memref_slice %dma_wait3A_412[%dma_wait3A_413, %dma_wait3A_414] : memref<1024x16xf32, #tpu.memory_space<vmem>> -> memref<128x16xf32, #tpu.memory_space<vmem>>
          %dma_wait3A_416 = arith.constant 0 : i32
          %dma_wait3A_417 = arith.constant 0 : i32
          %dma_wait3A_418 = tpu.memref_slice %run_scoped3A[%rem3A_226, %dma_wait3A_416, %dma_wait3A_417] : memref<2x1x1024xi32, #tpu.memory_space<vmem>> -> memref<1x1x1024xi32, #tpu.memory_space<vmem>>
          %dma_wait3A_419 = tpu.memref_squeeze %dma_wait3A_418 : memref<1x1x1024xi32, #tpu.memory_space<vmem>> -> memref<1x1024xi32, #tpu.memory_space<vmem>>
          %dma_wait3A_420 = arith.constant 256 : i32
          %dma_wait3A_421 = tpu.memref_slice %dma_wait3A_419[%dma_wait3A_408, %dma_wait3A_420] : memref<1x1024xi32, #tpu.memory_space<vmem>> -> memref<1x128xi32, #tpu.memory_space<vmem>>
          %dma_wait3A_422 = tpu.memref_squeeze %dma_wait3A_421 : memref<1x128xi32, #tpu.memory_space<vmem>> -> memref<128xi32, #tpu.memory_space<vmem>>
          %dma_wait3A_423 = arith.constant 0 : i32
          %dma_wait3A_424 = arith.constant 0 : i32
          %dma_wait3A_425 = tpu.memref_slice %arg2[%dma_wait3A_423, %dma_wait3A_424] : memref<100000x16xf32, #tpu.memory_space<hbm>> -> memref<100000x16xf32, #tpu.memory_space<hbm>>
          tpu.wait_indirect_dma semaphore(%arg5 : memref<!tpu.dma_semaphore, #tpu.memory_space<semaphore_mem>>) src(%dma_wait3A_425 : memref<100000x16xf32, #tpu.memory_space<hbm>>) dst(%dma_wait3A_415 : memref<128x16xf32, #tpu.memory_space<vmem>>)
          %dma_wait3A_426 = arith.constant 0 : i32
          %dma_wait3A_427 = arith.constant 0 : i32
          %dma_wait3A_428 = arith.constant 0 : i32
          %dma_wait3A_429 = tpu.memref_slice %run_scoped3A_18[%rem3A_228, %dma_wait3A_427, %dma_wait3A_428] : memref<2x1024x16xf32, #tpu.memory_space<vmem>> -> memref<1x1024x16xf32, #tpu.memory_space<vmem>>
          %dma_wait3A_430 = tpu.memref_squeeze %dma_wait3A_429 : memref<1x1024x16xf32, #tpu.memory_space<vmem>> -> memref<1024x16xf32, #tpu.memory_space<vmem>>
          %dma_wait3A_431 = arith.constant 384 : i32
          %dma_wait3A_432 = arith.constant 0 : i32
          %dma_wait3A_433 = tpu.memref_slice %dma_wait3A_430[%dma_wait3A_431, %dma_wait3A_432] : memref<1024x16xf32, #tpu.memory_space<vmem>> -> memref<128x16xf32, #tpu.memory_space<vmem>>
          %dma_wait3A_434 = arith.constant 0 : i32
          %dma_wait3A_435 = arith.constant 0 : i32
          %dma_wait3A_436 = tpu.memref_slice %run_scoped3A[%rem3A_226, %dma_wait3A_434, %dma_wait3A_435] : memref<2x1x1024xi32, #tpu.memory_space<vmem>> -> memref<1x1x1024xi32, #tpu.memory_space<vmem>>
          %dma_wait3A_437 = tpu.memref_squeeze %dma_wait3A_436 : memref<1x1x1024xi32, #tpu.memory_space<vmem>> -> memref<1x1024xi32, #tpu.memory_space<vmem>>
          %dma_wait3A_438 = arith.constant 384 : i32
          %dma_wait3A_439 = tpu.memref_slice %dma_wait3A_437[%dma_wait3A_426, %dma_wait3A_438] : memref<1x1024xi32, #tpu.memory_space<vmem>> -> memref<1x128xi32, #tpu.memory_space<vmem>>
          %dma_wait3A_440 = tpu.memref_squeeze %dma_wait3A_439 : memref<1x128xi32, #tpu.memory_space<vmem>> -> memref<128xi32, #tpu.memory_space<vmem>>
          %dma_wait3A_441 = arith.constant 0 : i32
          %dma_wait3A_442 = arith.constant 0 : i32
          %dma_wait3A_443 = tpu.memref_slice %arg2[%dma_wait3A_441, %dma_wait3A_442] : memref<100000x16xf32, #tpu.memory_space<hbm>> -> memref<100000x16xf32, #tpu.memory_space<hbm>>
          tpu.wait_indirect_dma semaphore(%arg5 : memref<!tpu.dma_semaphore, #tpu.memory_space<semaphore_mem>>) src(%dma_wait3A_443 : memref<100000x16xf32, #tpu.memory_space<hbm>>) dst(%dma_wait3A_433 : memref<128x16xf32, #tpu.memory_space<vmem>>)
          %dma_wait3A_444 = arith.constant 0 : i32
          %dma_wait3A_445 = arith.constant 0 : i32
          %dma_wait3A_446 = arith.constant 0 : i32
          %dma_wait3A_447 = tpu.memref_slice %run_scoped3A_18[%rem3A_228, %dma_wait3A_445, %dma_wait3A_446] : memref<2x1024x16xf32, #tpu.memory_space<vmem>> -> memref<1x1024x16xf32, #tpu.memory_space<vmem>>
          %dma_wait3A_448 = tpu.memref_squeeze %dma_wait3A_447 : memref<1x1024x16xf32, #tpu.memory_space<vmem>> -> memref<1024x16xf32, #tpu.memory_space<vmem>>
          %dma_wait3A_449 = arith.constant 512 : i32
          %dma_wait3A_450 = arith.constant 0 : i32
          %dma_wait3A_451 = tpu.memref_slice %dma_wait3A_448[%dma_wait3A_449, %dma_wait3A_450] : memref<1024x16xf32, #tpu.memory_space<vmem>> -> memref<128x16xf32, #tpu.memory_space<vmem>>
          %dma_wait3A_452 = arith.constant 0 : i32
          %dma_wait3A_453 = arith.constant 0 : i32
          %dma_wait3A_454 = tpu.memref_slice %run_scoped3A[%rem3A_226, %dma_wait3A_452, %dma_wait3A_453] : memref<2x1x1024xi32, #tpu.memory_space<vmem>> -> memref<1x1x1024xi32, #tpu.memory_space<vmem>>
          %dma_wait3A_455 = tpu.memref_squeeze %dma_wait3A_454 : memref<1x1x1024xi32, #tpu.memory_space<vmem>> -> memref<1x1024xi32, #tpu.memory_space<vmem>>
          %dma_wait3A_456 = arith.constant 512 : i32
          %dma_wait3A_457 = tpu.memref_slice %dma_wait3A_455[%dma_wait3A_444, %dma_wait3A_456] : memref<1x1024xi32, #tpu.memory_space<vmem>> -> memref<1x128xi32, #tpu.memory_space<vmem>>
          %dma_wait3A_458 = tpu.memref_squeeze %dma_wait3A_457 : memref<1x128xi32, #tpu.memory_space<vmem>> -> memref<128xi32, #tpu.memory_space<vmem>>
          %dma_wait3A_459 = arith.constant 0 : i32
          %dma_wait3A_460 = arith.constant 0 : i32
          %dma_wait3A_461 = tpu.memref_slice %arg2[%dma_wait3A_459, %dma_wait3A_460] : memref<100000x16xf32, #tpu.memory_space<hbm>> -> memref<100000x16xf32, #tpu.memory_space<hbm>>
          tpu.wait_indirect_dma semaphore(%arg5 : memref<!tpu.dma_semaphore, #tpu.memory_space<semaphore_mem>>) src(%dma_wait3A_461 : memref<100000x16xf32, #tpu.memory_space<hbm>>) dst(%dma_wait3A_451 : memref<128x16xf32, #tpu.memory_space<vmem>>)
          %dma_wait3A_462 = arith.constant 0 : i32
          %dma_wait3A_463 = arith.constant 0 : i32
          %dma_wait3A_464 = arith.constant 0 : i32
          %dma_wait3A_465 = tpu.memref_slice %run_scoped3A_18[%rem3A_228, %dma_wait3A_463, %dma_wait3A_464] : memref<2x1024x16xf32, #tpu.memory_space<vmem>> -> memref<1x1024x16xf32, #tpu.memory_space<vmem>>
          %dma_wait3A_466 = tpu.memref_squeeze %dma_wait3A_465 : memref<1x1024x16xf32, #tpu.memory_space<vmem>> -> memref<1024x16xf32, #tpu.memory_space<vmem>>
          %dma_wait3A_467 = arith.constant 640 : i32
          %dma_wait3A_468 = arith.constant 0 : i32
          %dma_wait3A_469 = tpu.memref_slice %dma_wait3A_466[%dma_wait3A_467, %dma_wait3A_468] : memref<1024x16xf32, #tpu.memory_space<vmem>> -> memref<128x16xf32, #tpu.memory_space<vmem>>
          %dma_wait3A_470 = arith.constant 0 : i32
          %dma_wait3A_471 = arith.constant 0 : i32
          %dma_wait3A_472 = tpu.memref_slice %run_scoped3A[%rem3A_226, %dma_wait3A_470, %dma_wait3A_471] : memref<2x1x1024xi32, #tpu.memory_space<vmem>> -> memref<1x1x1024xi32, #tpu.memory_space<vmem>>
          %dma_wait3A_473 = tpu.memref_squeeze %dma_wait3A_472 : memref<1x1x1024xi32, #tpu.memory_space<vmem>> -> memref<1x1024xi32, #tpu.memory_space<vmem>>
          %dma_wait3A_474 = arith.constant 640 : i32
          %dma_wait3A_475 = tpu.memref_slice %dma_wait3A_473[%dma_wait3A_462, %dma_wait3A_474] : memref<1x1024xi32, #tpu.memory_space<vmem>> -> memref<1x128xi32, #tpu.memory_space<vmem>>
          %dma_wait3A_476 = tpu.memref_squeeze %dma_wait3A_475 : memref<1x128xi32, #tpu.memory_space<vmem>> -> memref<128xi32, #tpu.memory_space<vmem>>
          %dma_wait3A_477 = arith.constant 0 : i32
          %dma_wait3A_478 = arith.constant 0 : i32
          %dma_wait3A_479 = tpu.memref_slice %arg2[%dma_wait3A_477, %dma_wait3A_478] : memref<100000x16xf32, #tpu.memory_space<hbm>> -> memref<100000x16xf32, #tpu.memory_space<hbm>>
          tpu.wait_indirect_dma semaphore(%arg5 : memref<!tpu.dma_semaphore, #tpu.memory_space<semaphore_mem>>) src(%dma_wait3A_479 : memref<100000x16xf32, #tpu.memory_space<hbm>>) dst(%dma_wait3A_469 : memref<128x16xf32, #tpu.memory_space<vmem>>)
          %dma_wait3A_480 = arith.constant 0 : i32
          %dma_wait3A_481 = arith.constant 0 : i32
          %dma_wait3A_482 = arith.constant 0 : i32
          %dma_wait3A_483 = tpu.memref_slice %run_scoped3A_18[%rem3A_228, %dma_wait3A_481, %dma_wait3A_482] : memref<2x1024x16xf32, #tpu.memory_space<vmem>> -> memref<1x1024x16xf32, #tpu.memory_space<vmem>>
          %dma_wait3A_484 = tpu.memref_squeeze %dma_wait3A_483 : memref<1x1024x16xf32, #tpu.memory_space<vmem>> -> memref<1024x16xf32, #tpu.memory_space<vmem>>
          %dma_wait3A_485 = arith.constant 768 : i32
          %dma_wait3A_486 = arith.constant 0 : i32
          %dma_wait3A_487 = tpu.memref_slice %dma_wait3A_484[%dma_wait3A_485, %dma_wait3A_486] : memref<1024x16xf32, #tpu.memory_space<vmem>> -> memref<128x16xf32, #tpu.memory_space<vmem>>
          %dma_wait3A_488 = arith.constant 0 : i32
          %dma_wait3A_489 = arith.constant 0 : i32
          %dma_wait3A_490 = tpu.memref_slice %run_scoped3A[%rem3A_226, %dma_wait3A_488, %dma_wait3A_489] : memref<2x1x1024xi32, #tpu.memory_space<vmem>> -> memref<1x1x1024xi32, #tpu.memory_space<vmem>>
          %dma_wait3A_491 = tpu.memref_squeeze %dma_wait3A_490 : memref<1x1x1024xi32, #tpu.memory_space<vmem>> -> memref<1x1024xi32, #tpu.memory_space<vmem>>
          %dma_wait3A_492 = arith.constant 768 : i32
          %dma_wait3A_493 = tpu.memref_slice %dma_wait3A_491[%dma_wait3A_480, %dma_wait3A_492] : memref<1x1024xi32, #tpu.memory_space<vmem>> -> memref<1x128xi32, #tpu.memory_space<vmem>>
          %dma_wait3A_494 = tpu.memref_squeeze %dma_wait3A_493 : memref<1x128xi32, #tpu.memory_space<vmem>> -> memref<128xi32, #tpu.memory_space<vmem>>
          %dma_wait3A_495 = arith.constant 0 : i32
          %dma_wait3A_496 = arith.constant 0 : i32
          %dma_wait3A_497 = tpu.memref_slice %arg2[%dma_wait3A_495, %dma_wait3A_496] : memref<100000x16xf32, #tpu.memory_space<hbm>> -> memref<100000x16xf32, #tpu.memory_space<hbm>>
          tpu.wait_indirect_dma semaphore(%arg5 : memref<!tpu.dma_semaphore, #tpu.memory_space<semaphore_mem>>) src(%dma_wait3A_497 : memref<100000x16xf32, #tpu.memory_space<hbm>>) dst(%dma_wait3A_487 : memref<128x16xf32, #tpu.memory_space<vmem>>)
          %dma_wait3A_498 = arith.constant 0 : i32
          %dma_wait3A_499 = arith.constant 0 : i32
          %dma_wait3A_500 = arith.constant 0 : i32
          %dma_wait3A_501 = tpu.memref_slice %run_scoped3A_18[%rem3A_228, %dma_wait3A_499, %dma_wait3A_500] : memref<2x1024x16xf32, #tpu.memory_space<vmem>> -> memref<1x1024x16xf32, #tpu.memory_space<vmem>>
          %dma_wait3A_502 = tpu.memref_squeeze %dma_wait3A_501 : memref<1x1024x16xf32, #tpu.memory_space<vmem>> -> memref<1024x16xf32, #tpu.memory_space<vmem>>
          %dma_wait3A_503 = arith.constant 896 : i32
          %dma_wait3A_504 = arith.constant 0 : i32
          %dma_wait3A_505 = tpu.memref_slice %dma_wait3A_502[%dma_wait3A_503, %dma_wait3A_504] : memref<1024x16xf32, #tpu.memory_space<vmem>> -> memref<128x16xf32, #tpu.memory_space<vmem>>
          %dma_wait3A_506 = arith.constant 0 : i32
          %dma_wait3A_507 = arith.constant 0 : i32
          %dma_wait3A_508 = tpu.memref_slice %run_scoped3A[%rem3A_226, %dma_wait3A_506, %dma_wait3A_507] : memref<2x1x1024xi32, #tpu.memory_space<vmem>> -> memref<1x1x1024xi32, #tpu.memory_space<vmem>>
          %dma_wait3A_509 = tpu.memref_squeeze %dma_wait3A_508 : memref<1x1x1024xi32, #tpu.memory_space<vmem>> -> memref<1x1024xi32, #tpu.memory_space<vmem>>
          %dma_wait3A_510 = arith.constant 896 : i32
          %dma_wait3A_511 = tpu.memref_slice %dma_wait3A_509[%dma_wait3A_498, %dma_wait3A_510] : memref<1x1024xi32, #tpu.memory_space<vmem>> -> memref<1x128xi32, #tpu.memory_space<vmem>>
          %dma_wait3A_512 = tpu.memref_squeeze %dma_wait3A_511 : memref<1x128xi32, #tpu.memory_space<vmem>> -> memref<128xi32, #tpu.memory_space<vmem>>
          %dma_wait3A_513 = arith.constant 0 : i32
          %dma_wait3A_514 = arith.constant 0 : i32
          %dma_wait3A_515 = tpu.memref_slice %arg2[%dma_wait3A_513, %dma_wait3A_514] : memref<100000x16xf32, #tpu.memory_space<hbm>> -> memref<100000x16xf32, #tpu.memory_space<hbm>>
          tpu.wait_indirect_dma semaphore(%arg5 : memref<!tpu.dma_semaphore, #tpu.memory_space<semaphore_mem>>) src(%dma_wait3A_515 : memref<100000x16xf32, #tpu.memory_space<hbm>>) dst(%dma_wait3A_505 : memref<128x16xf32, #tpu.memory_space<vmem>>)
          "tpu.trace_stop"() : () -> ()
          %ne3A_516 = arith.cmpi ne, %add3A_155, %add3A_173 : i32
          %or3A_517 = arith.constant false
          %or3A_518 = arith.ori %or3A_517, %ne3A_516 : i1
          %or3A_519 = arith.ori %or3A_518, %eq3A_154 : i1
          %convert_element_type3A_520 = arith.extui %or3A_519 : i1 to i32
          %cond3A_521 = arith.constant 0 : i32
          %cond3A_522 = arith.cmpi ne, %convert_element_type3A_520, %cond3A_521 : i32
          scf.if %cond3A_522 {
          } else {
          }
          %and3A_523 = arith.constant false
          %and3A_524 = arith.andi %or3A_519, %and3A_523 : i1
          %ne3A_525 = arith.cmpi ne, %add3A_155, %add3A_173 : i32
          %or3A_526 = arith.constant false
          %or3A_527 = arith.ori %or3A_526, %ne3A_525 : i1
          %or3A_528 = arith.constant false
          %or3A_529 = arith.ori %or3A_527, %or3A_528 : i1
          %or3A_530 = arith.ori %or3A_529, %eq3A_154 : i1
          %convert_element_type3A_531 = arith.extui %or3A_530 : i1 to i32
          %cond3A_532 = arith.constant 0 : i32
          %cond3A_533 = arith.cmpi ne, %convert_element_type3A_531, %cond3A_532 : i32
          scf.if %cond3A_533 {
            "tpu.trace_start"() <{level = 10 : i32, message = "ep_copy_out"}> : () -> ()
            %rem3A_580 = arith.constant 2 : i32
            %rem3A_581 = arith.remui %while3A_145, %rem3A_580 : i32
            %mul3A_582 = arith.constant 1024 : i32
            %mul3A_583 = arith.muli %mul3A_582, %add3A_155 : i32
            %dma_start3A_584 = arith.constant 0 : i32
            %dma_start3A_585 = arith.constant 0 : i32
            %dma_start3A_586 = tpu.memref_slice %run_scoped3A_18[%rem3A_581, %dma_start3A_584, %dma_start3A_585] : memref<2x1024x16xf32, #tpu.memory_space<vmem>> -> memref<1x1024x16xf32, #tpu.memory_space<vmem>>
            %dma_start3A_587 = tpu.memref_squeeze %dma_start3A_586 : memref<1x1024x16xf32, #tpu.memory_space<vmem>> -> memref<1024x16xf32, #tpu.memory_space<vmem>>
            %dma_start3A_588 = arith.constant 0 : i32
            %dma_start3A_589 = tpu.memref_slice %arg4[%mul3A_583, %dma_start3A_588] : memref<3200000x16xf32, #tpu.memory_space<hbm>> -> memref<1024x16xf32, #tpu.memory_space<hbm>>
            %dma_start3A_590 = tpu.memref_slice %run_scoped3A_19[%rem3A_581] : memref<2x!tpu.dma_semaphore, #tpu.memory_space<semaphore_mem>> -> memref<1x!tpu.dma_semaphore, #tpu.memory_space<semaphore_mem>>
            %dma_start3A_591 = tpu.memref_squeeze %dma_start3A_590 : memref<1x!tpu.dma_semaphore, #tpu.memory_space<semaphore_mem>> -> memref<!tpu.dma_semaphore, #tpu.memory_space<semaphore_mem>>
            %dma_start3A_592 = arith.constant 0 : i32
            %dma_start3A_593 = tpu.memref_slice %arg4[%mul3A_583, %dma_start3A_592] : memref<3200000x16xf32, #tpu.memory_space<hbm>> -> memref<1024x16xf32, #tpu.memory_space<hbm>>
            %dma_start3A_594 = arith.constant 0 : i32
            %dma_start3A_595 = arith.constant 0 : i32
            %dma_start3A_596 = tpu.memref_slice %run_scoped3A_18[%rem3A_581, %dma_start3A_594, %dma_start3A_595] : memref<2x1024x16xf32, #tpu.memory_space<vmem>> -> memref<1x1024x16xf32, #tpu.memory_space<vmem>>
            %dma_start3A_597 = tpu.memref_squeeze %dma_start3A_596 : memref<1x1024x16xf32, #tpu.memory_space<vmem>> -> memref<1024x16xf32, #tpu.memory_space<vmem>>
            tpu.enqueue_dma source(%dma_start3A_597 : memref<1024x16xf32, #tpu.memory_space<vmem>>) target(%dma_start3A_593 : memref<1024x16xf32, #tpu.memory_space<hbm>>) target_semaphore(%dma_start3A_591 : memref<!tpu.dma_semaphore, #tpu.memory_space<semaphore_mem>>)
            "tpu.trace_stop"() : () -> ()
          } else {
          }
          %and3A_534 = arith.constant true
          %and3A_535 = arith.andi %or3A_530, %and3A_534 : i1
          %add3A_536 = arith.constant 1 : i32
          %add3A_537 = arith.addi %while3A_145, %add3A_536 : i32
          %select_n3A_538 = arith.select %and3A_535, %add3A_537, %while3A_145 : i32
          %ne3A_539 = arith.cmpi ne, %add3A_155, %add3A_165 : i32
          %or3A_540 = arith.constant false
          %or3A_541 = arith.ori %or3A_540, %ne3A_539 : i1
          %not3A_542 = arith.constant true
          %not3A_543 = arith.xori %eq3A_151, %not3A_542 : i1
          %and3A_544 = arith.andi %or3A_541, %not3A_543 : i1
          %convert_element_type3A_545 = arith.extui %and3A_544 : i1 to i32
          %cond3A_546 = arith.constant 0 : i32
          %cond3A_547 = arith.cmpi ne, %convert_element_type3A_545, %cond3A_546 : i32
          scf.if %cond3A_547 {
          } else {
          }
          %and3A_548 = arith.constant false
          %and3A_549 = arith.andi %and3A_544, %and3A_548 : i1
          %ne3A_550 = arith.cmpi ne, %add3A_155, %add3A_165 : i32
          %or3A_551 = arith.constant false
          %or3A_552 = arith.ori %or3A_551, %ne3A_550 : i1
          %or3A_553 = arith.constant false
          %or3A_554 = arith.ori %or3A_552, %or3A_553 : i1
          %not3A_555 = arith.constant true
          %not3A_556 = arith.xori %eq3A_151, %not3A_555 : i1
          %and3A_557 = arith.andi %or3A_554, %not3A_556 : i1
          %convert_element_type3A_558 = arith.extui %and3A_557 : i1 to i32
          %cond3A_559 = arith.constant 0 : i32
          %cond3A_560 = arith.cmpi ne, %convert_element_type3A_558, %cond3A_559 : i32
          scf.if %cond3A_560 {
            "tpu.trace_start"() <{level = 10 : i32, message = "ep_wait_out"}> : () -> ()
            %rem3A_580 = arith.constant 2 : i32
            %rem3A_581 = arith.remui %while3A_146, %rem3A_580 : i32
            %mul3A_582 = arith.constant 1024 : i32
            %mul3A_583 = arith.muli %mul3A_582, %add3A_165 : i32
            %dma_wait3A_584 = arith.constant 0 : i32
            %dma_wait3A_585 = arith.constant 0 : i32
            %dma_wait3A_586 = tpu.memref_slice %run_scoped3A_18[%rem3A_581, %dma_wait3A_584, %dma_wait3A_585] : memref<2x1024x16xf32, #tpu.memory_space<vmem>> -> memref<1x1024x16xf32, #tpu.memory_space<vmem>>
            %dma_wait3A_587 = tpu.memref_squeeze %dma_wait3A_586 : memref<1x1024x16xf32, #tpu.memory_space<vmem>> -> memref<1024x16xf32, #tpu.memory_space<vmem>>
            %dma_wait3A_588 = arith.constant 0 : i32
            %dma_wait3A_589 = tpu.memref_slice %arg4[%mul3A_583, %dma_wait3A_588] : memref<3200000x16xf32, #tpu.memory_space<hbm>> -> memref<1024x16xf32, #tpu.memory_space<hbm>>
            %dma_wait3A_590 = tpu.memref_slice %run_scoped3A_19[%rem3A_581] : memref<2x!tpu.dma_semaphore, #tpu.memory_space<semaphore_mem>> -> memref<1x!tpu.dma_semaphore, #tpu.memory_space<semaphore_mem>>
            %dma_wait3A_591 = tpu.memref_squeeze %dma_wait3A_590 : memref<1x!tpu.dma_semaphore, #tpu.memory_space<semaphore_mem>> -> memref<!tpu.dma_semaphore, #tpu.memory_space<semaphore_mem>>
            %dma_wait3A_592 = arith.constant 0 : i32
            %dma_wait3A_593 = tpu.memref_slice %arg4[%mul3A_583, %dma_wait3A_592] : memref<3200000x16xf32, #tpu.memory_space<hbm>> -> memref<1024x16xf32, #tpu.memory_space<hbm>>
            %dma_wait3A_594 = arith.constant 0 : i32
            %dma_wait3A_595 = arith.constant 0 : i32
            %dma_wait3A_596 = tpu.memref_slice %run_scoped3A_18[%rem3A_581, %dma_wait3A_594, %dma_wait3A_595] : memref<2x1024x16xf32, #tpu.memory_space<vmem>> -> memref<1x1024x16xf32, #tpu.memory_space<vmem>>
            %dma_wait3A_597 = tpu.memref_squeeze %dma_wait3A_596 : memref<1x1024x16xf32, #tpu.memory_space<vmem>> -> memref<1024x16xf32, #tpu.memory_space<vmem>>
            tpu.wait_dma2 semaphore(%dma_wait3A_591 : memref<!tpu.dma_semaphore, #tpu.memory_space<semaphore_mem>>) src(%dma_wait3A_597 : memref<1024x16xf32, #tpu.memory_space<vmem>>) dst(%dma_wait3A_593 : memref<1024x16xf32, #tpu.memory_space<hbm>>)
            "tpu.trace_stop"() : () -> ()
          } else {
          }
          %and3A_561 = arith.constant true
          %and3A_562 = arith.andi %and3A_557, %and3A_561 : i1
          %add3A_563 = arith.constant 1 : i32
          %add3A_564 = arith.addi %while3A_146, %add3A_563 : i32
          %select_n3A_565 = arith.select %and3A_562, %add3A_564, %while3A_146 : i32
          %ne3A_566 = arith.cmpi ne, %add3A_155, %add3A_173 : i32
          %or3A_567 = arith.constant false
          %or3A_568 = arith.ori %or3A_567, %ne3A_566 : i1
          %or3A_569 = arith.ori %or3A_568, %eq3A_154 : i1
          %add3A_570 = arith.constant 1 : i32
          %add3A_571 = arith.addi %while3A_144, %add3A_570 : i32
          %select_n3A_572 = arith.select %or3A_569, %add3A_571, %while3A_144 : i32
          %add3A_573 = arith.constant 1 : i32
          %add3A_574 = arith.addi %while3A_147, %add3A_573 : i32
          %select_n3A_575 = arith.constant true
          %select_n3A_576 = arith.select %select_n3A_575, %add3A_574, %while3A_147 : i32
          %eq3A_577 = arith.cmpi eq, %select_n3A_576, %select_n3A : i32
          %select_n3A_578 = arith.constant 0 : i32
          %select_n3A_579 = arith.select %eq3A_577, %select_n3A_578, %select_n3A_576 : i32
          scf.yield %select_n3A_195, %select_n3A_572, %select_n3A_538, %select_n3A_565, %select_n3A_579 : i32, i32, i32, i32, i32
        }
        %sub3A_91 = arith.constant 1 : i32
        %sub3A_92 = arith.subi %while3A_90#4, %sub3A_91 : i32
        %select_n3A_93 = arith.constant true
        %select_n3A_94 = arith.select %select_n3A_93, %sub3A_92, %while3A_90#4 : i32
        %eq3A_95 = arith.constant -1 : i32
        %eq3A_96 = arith.cmpi eq, %select_n3A_94, %eq3A_95 : i32
        %sub3A_97 = arith.constant 1 : i32
        %sub3A_98 = arith.subi %select_n3A, %sub3A_97 : i32
        %select_n3A_99 = arith.select %eq3A_96, %sub3A_98, %select_n3A_94 : i32
        %sub3A_100 = arith.constant 1 : i32
        %sub3A_101 = arith.subi %mul3A_16, %sub3A_100 : i32
        %mul3A_102 = arith.constant 1 : i32
        %mul3A_103 = arith.muli %mul3A_102, %select_n3A : i32
        %eq3A_104 = arith.constant 0 : i32
        %eq3A_105 = arith.cmpi eq, %sub3A_101, %eq3A_104 : i32
        %sub3A_106 = arith.constant 1 : i32
        %sub3A_107 = arith.subi %mul3A_103, %sub3A_106 : i32
        %eq3A_108 = arith.cmpi eq, %sub3A_101, %sub3A_107 : i32
        %add3A_109 = arith.addi %select_n3A_99, %select_n3A_14 : i32
        %sub3A_110 = arith.constant 1 : i32
        %sub3A_111 = arith.subi %select_n3A_99, %sub3A_110 : i32
        %select_n3A_112 = arith.constant true
        %select_n3A_113 = arith.select %select_n3A_112, %sub3A_111, %select_n3A_99 : i32
        %eq3A_114 = arith.constant -1 : i32
        %eq3A_115 = arith.cmpi eq, %select_n3A_113, %eq3A_114 : i32
        %sub3A_116 = arith.constant 1 : i32
        %sub3A_117 = arith.subi %select_n3A, %sub3A_116 : i32
        %select_n3A_118 = arith.select %eq3A_115, %sub3A_117, %select_n3A_113 : i32
        %add3A_119 = arith.addi %select_n3A_118, %select_n3A_14 : i32
        %add3A_120 = arith.constant 1 : i32
        %add3A_121 = arith.addi %select_n3A_99, %add3A_120 : i32
        %select_n3A_122 = arith.constant true
        %select_n3A_123 = arith.select %select_n3A_122, %add3A_121, %select_n3A_99 : i32
        %eq3A_124 = arith.cmpi eq, %select_n3A_123, %select_n3A : i32
        %select_n3A_125 = arith.constant 0 : i32
        %select_n3A_126 = arith.select %eq3A_124, %select_n3A_125, %select_n3A_123 : i32
        %add3A_127 = arith.addi %select_n3A_126, %select_n3A_14 : i32
        %add3A_128 = arith.constant 1 : i32
        %add3A_129 = arith.addi %select_n3A_126, %add3A_128 : i32
        %select_n3A_130 = arith.constant true
        %select_n3A_131 = arith.select %select_n3A_130, %add3A_129, %select_n3A_126 : i32
        %eq3A_132 = arith.cmpi eq, %select_n3A_131, %select_n3A : i32
        %select_n3A_133 = arith.constant 0 : i32
        %select_n3A_134 = arith.select %eq3A_132, %select_n3A_133, %select_n3A_131 : i32
        %add3A_135 = arith.addi %select_n3A_134, %select_n3A_14 : i32
        %convert_element_type3A_136 = arith.extui %eq3A_108 : i1 to i32
        %cond3A_137 = arith.constant 0 : i32
        %cond3A_138 = arith.cmpi ne, %convert_element_type3A_136, %cond3A_137 : i32
        scf.if %cond3A_138 {
        } else {
        }
        %convert_element_type3A_139 = arith.extui %eq3A_108 : i1 to i32
        %cond3A_140 = arith.constant 0 : i32
        %cond3A_141 = arith.cmpi ne, %convert_element_type3A_139, %cond3A_140 : i32
        scf.if %cond3A_141 {
          "tpu.trace_start"() <{level = 10 : i32, message = "ep_finalize"}> : () -> ()
          %rem3A_142 = arith.constant 2 : i32
          %rem3A_143 = arith.remui %while3A_90#3, %rem3A_142 : i32
          %mul3A_144 = arith.constant 1024 : i32
          %mul3A_145 = arith.muli %mul3A_144, %add3A_109 : i32
          %dma_wait3A = arith.constant 0 : i32
          %dma_wait3A_146 = arith.constant 0 : i32
          %dma_wait3A_147 = tpu.memref_slice %run_scoped3A_18[%rem3A_143, %dma_wait3A, %dma_wait3A_146] : memref<2x1024x16xf32, #tpu.memory_space<vmem>> -> memref<1x1024x16xf32, #tpu.memory_space<vmem>>
          %dma_wait3A_148 = tpu.memref_squeeze %dma_wait3A_147 : memref<1x1024x16xf32, #tpu.memory_space<vmem>> -> memref<1024x16xf32, #tpu.memory_space<vmem>>
          %dma_wait3A_149 = arith.constant 0 : i32
          %dma_wait3A_150 = tpu.memref_slice %arg4[%mul3A_145, %dma_wait3A_149] : memref<3200000x16xf32, #tpu.memory_space<hbm>> -> memref<1024x16xf32, #tpu.memory_space<hbm>>
          %dma_wait3A_151 = tpu.memref_slice %run_scoped3A_19[%rem3A_143] : memref<2x!tpu.dma_semaphore, #tpu.memory_space<semaphore_mem>> -> memref<1x!tpu.dma_semaphore, #tpu.memory_space<semaphore_mem>>
          %dma_wait3A_152 = tpu.memref_squeeze %dma_wait3A_151 : memref<1x!tpu.dma_semaphore, #tpu.memory_space<semaphore_mem>> -> memref<!tpu.dma_semaphore, #tpu.memory_space<semaphore_mem>>
          %dma_wait3A_153 = arith.constant 0 : i32
          %dma_wait3A_154 = tpu.memref_slice %arg4[%mul3A_145, %dma_wait3A_153] : memref<3200000x16xf32, #tpu.memory_space<hbm>> -> memref<1024x16xf32, #tpu.memory_space<hbm>>
          %dma_wait3A_155 = arith.constant 0 : i32
          %dma_wait3A_156 = arith.constant 0 : i32
          %dma_wait3A_157 = tpu.memref_slice %run_scoped3A_18[%rem3A_143, %dma_wait3A_155, %dma_wait3A_156] : memref<2x1024x16xf32, #tpu.memory_space<vmem>> -> memref<1x1024x16xf32, #tpu.memory_space<vmem>>
          %dma_wait3A_158 = tpu.memref_squeeze %dma_wait3A_157 : memref<1x1024x16xf32, #tpu.memory_space<vmem>> -> memref<1024x16xf32, #tpu.memory_space<vmem>>
          tpu.wait_dma2 semaphore(%dma_wait3A_152 : memref<!tpu.dma_semaphore, #tpu.memory_space<semaphore_mem>>) src(%dma_wait3A_158 : memref<1024x16xf32, #tpu.memory_space<vmem>>) dst(%dma_wait3A_154 : memref<1024x16xf32, #tpu.memory_space<hbm>>)
          "tpu.trace_stop"() : () -> ()
        } else {
        }
      } else {
      }
      tpu.yield
    }) : () -> ()
    return
  }
}

module attributes {stable_mosaic.version = 14 : i64} {
  func.func @body(%arg0: i32, %arg1: memref<16x6400xf32, #tpu.memory_space<vmem>>, %arg2: memref<3200000x16xf32, #tpu.memory_space<any>>, %arg3: memref<32x16xf32, #tpu.memory_space<vmem>>, %arg4: memref<32x16xf32, #tpu.memory_space<vmem>>, %arg5: memref<32x1xf32, #tpu.memory_space<vmem>>, %arg6: memref<32x32xf32, #tpu.memory_space<vmem>>, %arg7: memref<32x1xf32, #tpu.memory_space<vmem>>, %arg8: memref<32x6400xf32, #tpu.memory_space<vmem>>, %arg9: memref<2x6400x16xf32, #tpu.memory_space<vmem>>, %arg10: memref<2x!tpu.dma_semaphore, #tpu.memory_space<semaphore_mem>>) attributes {dimension_semantics = [#tpu.dimension_semantics<arbitrary>], iteration_bounds = array<i64: 500>, scalar_prefetch = 0 : i64, scratch_operands = 2 : i64, tpu.core_type = #tpu.core_type<tc>, window_params = [{transform_indices = @transform_0, window_bounds = array<i64: 16, 6400>}, {}, {pipeline_mode = #tpu.pipeline_mode<synchronous>, transform_indices = @transform_2, window_bounds = array<i64: 32, 16>}, {pipeline_mode = #tpu.pipeline_mode<synchronous>, transform_indices = @transform_3, window_bounds = array<i64: 32, 16>}, {pipeline_mode = #tpu.pipeline_mode<synchronous>, transform_indices = @transform_4, window_bounds = array<i64: 32, 1>}, {pipeline_mode = #tpu.pipeline_mode<synchronous>, transform_indices = @transform_5, window_bounds = array<i64: 32, 32>}, {pipeline_mode = #tpu.pipeline_mode<synchronous>, transform_indices = @transform_6, window_bounds = array<i64: 32, 1>}, {transform_indices = @transform_7, window_bounds = array<i64: 32, 6400>}]} {
    %rem3A = arith.constant 2 : i32
    %rem3A_0 = arith.remsi %arg0, %rem3A : i32
    %add3A = arith.constant 1 : i32
    %add3A_1 = arith.addi %arg0, %add3A : i32
    %rem3A_2 = arith.constant 2 : i32
    %rem3A_3 = arith.remsi %add3A_1, %rem3A_2 : i32
    %eq3A = arith.constant 0 : i32
    %eq3A_4 = arith.cmpi eq, %arg0, %eq3A : i32
    %convert_element_type3A = arith.extui %eq3A_4 : i1 to i32
    %cond3A = arith.constant 0 : i32
    %cond3A_5 = arith.cmpi ne, %convert_element_type3A, %cond3A : i32
    scf.if %cond3A_5 {
      %mul3A_56 = arith.constant 6400 : i32
      %mul3A_57 = arith.muli %arg0, %mul3A_56 : i32
      %dma_start3A = tpu.memref_slice %arg10[%rem3A_0] : memref<2x!tpu.dma_semaphore, #tpu.memory_space<semaphore_mem>> -> memref<1x!tpu.dma_semaphore, #tpu.memory_space<semaphore_mem>>
      %dma_start3A_58 = tpu.memref_squeeze %dma_start3A : memref<1x!tpu.dma_semaphore, #tpu.memory_space<semaphore_mem>> -> memref<!tpu.dma_semaphore, #tpu.memory_space<semaphore_mem>>
      %dma_start3A_59 = arith.constant 0 : i32
      %dma_start3A_60 = arith.constant 0 : i32
      %dma_start3A_61 = tpu.memref_slice %arg9[%rem3A_0, %dma_start3A_59, %dma_start3A_60] : memref<2x6400x16xf32, #tpu.memory_space<vmem>> -> memref<1x6400x16xf32, #tpu.memory_space<vmem>>
      %dma_start3A_62 = tpu.memref_squeeze %dma_start3A_61 : memref<1x6400x16xf32, #tpu.memory_space<vmem>> -> memref<6400x16xf32, #tpu.memory_space<vmem>>
      %dma_start3A_63 = arith.constant 0 : i32
      %dma_start3A_64 = tpu.memref_slice %arg2[%mul3A_57, %dma_start3A_63] : memref<3200000x16xf32, #tpu.memory_space<any>> -> memref<6400x16xf32, #tpu.memory_space<any>>
      tpu.enqueue_dma source(%dma_start3A_64 : memref<6400x16xf32, #tpu.memory_space<any>>) target(%dma_start3A_62 : memref<6400x16xf32, #tpu.memory_space<vmem>>) target_semaphore(%dma_start3A_58 : memref<!tpu.dma_semaphore, #tpu.memory_space<semaphore_mem>>)
    } else {
    }
    %add3A_6 = arith.constant 1 : i32
    %add3A_7 = arith.addi %arg0, %add3A_6 : i32
    %lt3A = arith.constant 500 : i32
    %lt3A_8 = arith.cmpi slt, %add3A_7, %lt3A : i32
    %convert_element_type3A_9 = arith.extui %lt3A_8 : i1 to i32
    %cond3A_10 = arith.constant 0 : i32
    %cond3A_11 = arith.cmpi ne, %convert_element_type3A_9, %cond3A_10 : i32
    scf.if %cond3A_11 {
      %add3A_56 = arith.constant 1 : i32
      %add3A_57 = arith.addi %arg0, %add3A_56 : i32
      %mul3A_58 = arith.constant 6400 : i32
      %mul3A_59 = arith.muli %add3A_57, %mul3A_58 : i32
      %dma_start3A = tpu.memref_slice %arg10[%rem3A_3] : memref<2x!tpu.dma_semaphore, #tpu.memory_space<semaphore_mem>> -> memref<1x!tpu.dma_semaphore, #tpu.memory_space<semaphore_mem>>
      %dma_start3A_60 = tpu.memref_squeeze %dma_start3A : memref<1x!tpu.dma_semaphore, #tpu.memory_space<semaphore_mem>> -> memref<!tpu.dma_semaphore, #tpu.memory_space<semaphore_mem>>
      %dma_start3A_61 = arith.constant 0 : i32
      %dma_start3A_62 = arith.constant 0 : i32
      %dma_start3A_63 = tpu.memref_slice %arg9[%rem3A_3, %dma_start3A_61, %dma_start3A_62] : memref<2x6400x16xf32, #tpu.memory_space<vmem>> -> memref<1x6400x16xf32, #tpu.memory_space<vmem>>
      %dma_start3A_64 = tpu.memref_squeeze %dma_start3A_63 : memref<1x6400x16xf32, #tpu.memory_space<vmem>> -> memref<6400x16xf32, #tpu.memory_space<vmem>>
      %dma_start3A_65 = arith.constant 0 : i32
      %dma_start3A_66 = tpu.memref_slice %arg2[%mul3A_59, %dma_start3A_65] : memref<3200000x16xf32, #tpu.memory_space<any>> -> memref<6400x16xf32, #tpu.memory_space<any>>
      tpu.enqueue_dma source(%dma_start3A_66 : memref<6400x16xf32, #tpu.memory_space<any>>) target(%dma_start3A_64 : memref<6400x16xf32, #tpu.memory_space<vmem>>) target_semaphore(%dma_start3A_60 : memref<!tpu.dma_semaphore, #tpu.memory_space<semaphore_mem>>)
    } else {
    }
    %mul3A = arith.constant 6400 : i32
    %mul3A_12 = arith.muli %arg0, %mul3A : i32
    %dma_wait3A = tpu.memref_slice %arg10[%rem3A_0] : memref<2x!tpu.dma_semaphore, #tpu.memory_space<semaphore_mem>> -> memref<1x!tpu.dma_semaphore, #tpu.memory_space<semaphore_mem>>
    %dma_wait3A_13 = tpu.memref_squeeze %dma_wait3A : memref<1x!tpu.dma_semaphore, #tpu.memory_space<semaphore_mem>> -> memref<!tpu.dma_semaphore, #tpu.memory_space<semaphore_mem>>
    %dma_wait3A_14 = arith.constant 0 : i32
    %dma_wait3A_15 = arith.constant 0 : i32
    %dma_wait3A_16 = tpu.memref_slice %arg9[%rem3A_0, %dma_wait3A_14, %dma_wait3A_15] : memref<2x6400x16xf32, #tpu.memory_space<vmem>> -> memref<1x6400x16xf32, #tpu.memory_space<vmem>>
    %dma_wait3A_17 = tpu.memref_squeeze %dma_wait3A_16 : memref<1x6400x16xf32, #tpu.memory_space<vmem>> -> memref<6400x16xf32, #tpu.memory_space<vmem>>
    %dma_wait3A_18 = arith.constant 0 : i32
    %dma_wait3A_19 = tpu.memref_slice %arg2[%mul3A_12, %dma_wait3A_18] : memref<3200000x16xf32, #tpu.memory_space<any>> -> memref<6400x16xf32, #tpu.memory_space<any>>
    tpu.wait_dma2 semaphore(%dma_wait3A_13 : memref<!tpu.dma_semaphore, #tpu.memory_space<semaphore_mem>>) src(%dma_wait3A_19 : memref<6400x16xf32, #tpu.memory_space<any>>) dst(%dma_wait3A_17 : memref<6400x16xf32, #tpu.memory_space<vmem>>)
    %get3A = arith.index_cast %rem3A_0 : i32 to index
    %get3A_20 = arith.constant 0 : index
    %get3A_21 = arith.constant 0 : index
    %get3A_22 = vector.load %arg9[%get3A, %get3A_20, %get3A_21] : memref<2x6400x16xf32, #tpu.memory_space<vmem>>, vector<1x6400x16xf32>
    %get3A_23 = vector.shape_cast %get3A_22 : vector<1x6400x16xf32> to vector<6400x16xf32>
    %transpose3A = tpu.transpose %get3A_23, [1, 0] : vector<6400x16xf32> -> vector<16x6400xf32>
    %get3A_24 = arith.constant 0 : index
    %get3A_25 = arith.constant 0 : index
    %get3A_26 = vector.load %arg3[%get3A_24, %get3A_25] : memref<32x16xf32, #tpu.memory_space<vmem>>, vector<32x16xf32>
    %dot_general3A = arith.constant dense<0.000000e+00> : vector<32x6400xf32>
    %dot_general3A_27 = tpu.matmul %get3A_26, %transpose3A, %dot_general3A {dimension_numbers = #tpu.dot_dimension_numbers<[1], [0], [0], [1], [0, 0, 1, 1], [], []>, transpose_lhs_hint = false} : vector<32x16xf32>, vector<16x6400xf32>, vector<32x6400xf32> -> vector<32x6400xf32>
    %get3A_28 = arith.constant 0 : index
    %get3A_29 = arith.constant 0 : index
    %get3A_30 = vector.load %arg4[%get3A_28, %get3A_29] : memref<32x16xf32, #tpu.memory_space<vmem>>, vector<32x16xf32>
    %get3A_31 = arith.constant 0 : index
    %get3A_32 = arith.constant 0 : index
    %get3A_33 = vector.load %arg1[%get3A_31, %get3A_32] : memref<16x6400xf32, #tpu.memory_space<vmem>>, vector<16x6400xf32>
    %dot_general3A_34 = arith.constant dense<0.000000e+00> : vector<32x6400xf32>
    %dot_general3A_35 = tpu.matmul %get3A_30, %get3A_33, %dot_general3A_34 {dimension_numbers = #tpu.dot_dimension_numbers<[1], [0], [0], [1], [0, 0, 1, 1], [], []>, transpose_lhs_hint = false} : vector<32x16xf32>, vector<16x6400xf32>, vector<32x6400xf32> -> vector<32x6400xf32>
    %add3A_36 = arith.addf %dot_general3A_27, %dot_general3A_35 : vector<32x6400xf32>
    %get3A_37 = arith.constant 0 : index
    %get3A_38 = arith.constant 0 : index
    %get3A_39 = vector.load %arg5[%get3A_37, %get3A_38] : memref<32x1xf32, #tpu.memory_space<vmem>>, vector<32x1xf32>
    %add3A_40 = vector.broadcast %get3A_39 : vector<32x1xf32> to vector<32x6400xf32>
    %add3A_41 = arith.addf %add3A_36, %add3A_40 : vector<32x6400xf32>
    %max3A = arith.constant 0.000000e+00 : f32
    %max3A_42 = vector.broadcast %max3A : f32 to vector<32x6400xf32>
    %max3A_43 = arith.maximumf %add3A_41, %max3A_42 : vector<32x6400xf32>
    %get3A_44 = arith.constant 0 : index
    %get3A_45 = arith.constant 0 : index
    %get3A_46 = vector.load %arg6[%get3A_44, %get3A_45] : memref<32x32xf32, #tpu.memory_space<vmem>>, vector<32x32xf32>
    %dot_general3A_47 = arith.constant dense<0.000000e+00> : vector<32x6400xf32>
    %dot_general3A_48 = tpu.matmul %get3A_46, %max3A_43, %dot_general3A_47 {dimension_numbers = #tpu.dot_dimension_numbers<[1], [0], [0], [1], [0, 0, 1, 1], [], []>, transpose_lhs_hint = false} : vector<32x32xf32>, vector<32x6400xf32>, vector<32x6400xf32> -> vector<32x6400xf32>
    %get3A_49 = arith.constant 0 : index
    %get3A_50 = arith.constant 0 : index
    %get3A_51 = vector.load %arg7[%get3A_49, %get3A_50] : memref<32x1xf32, #tpu.memory_space<vmem>>, vector<32x1xf32>
    %add3A_52 = vector.broadcast %get3A_51 : vector<32x1xf32> to vector<32x6400xf32>
    %add3A_53 = arith.addf %dot_general3A_48, %add3A_52 : vector<32x6400xf32>
    %swap3A = arith.constant 0 : index
    %swap3A_54 = arith.constant 0 : index
    %swap3A_55 = vector.load %arg8[%swap3A, %swap3A_54] : memref<32x6400xf32, #tpu.memory_space<vmem>>, vector<32x6400xf32>
    tpu.vector_store %arg8[%swap3A, %swap3A_54], %add3A_53 {strides = array<i32>} : memref<32x6400xf32, #tpu.memory_space<vmem>>, vector<32x6400xf32>,
    return
  }
  func.func @transform_0(%arg0: i32) -> (i32, i32) {
    %c0_i32 = arith.constant 0 : i32
    %c0_i32_0 = arith.constant 0 : i32
    return %c0_i32, %arg0 : i32, i32
  }
  func.func @transform_2(%arg0: i32) -> (i32, i32) {
    %c0_i32 = arith.constant 0 : i32
    %c0_i32_0 = arith.constant 0 : i32
    %c0_i32_1 = arith.constant 0 : i32
    return %c0_i32, %c0_i32_0 : i32, i32
  }
  func.func @transform_3(%arg0: i32) -> (i32, i32) {
    %c0_i32 = arith.constant 0 : i32
    %c0_i32_0 = arith.constant 0 : i32
    %c0_i32_1 = arith.constant 0 : i32
    return %c0_i32, %c0_i32_0 : i32, i32
  }
  func.func @transform_4(%arg0: i32) -> (i32, i32) {
    %c0_i32 = arith.constant 0 : i32
    %c0_i32_0 = arith.constant 0 : i32
    %c0_i32_1 = arith.constant 0 : i32
    return %c0_i32, %c0_i32_0 : i32, i32
  }
  func.func @transform_5(%arg0: i32) -> (i32, i32) {
    %c0_i32 = arith.constant 0 : i32
    %c0_i32_0 = arith.constant 0 : i32
    %c0_i32_1 = arith.constant 0 : i32
    return %c0_i32, %c0_i32_0 : i32, i32
  }
  func.func @transform_6(%arg0: i32) -> (i32, i32) {
    %c0_i32 = arith.constant 0 : i32
    %c0_i32_0 = arith.constant 0 : i32
    %c0_i32_1 = arith.constant 0 : i32
    return %c0_i32, %c0_i32_0 : i32, i32
  }
  func.func @transform_7(%arg0: i32) -> (i32, i32) {
    %c0_i32 = arith.constant 0 : i32
    %c0_i32_0 = arith.constant 0 : i32
    return %c0_i32, %arg0 : i32, i32
  }
}

</mosaic_0001>

<sc_bundles>
// kernel: kernel.4.cloned.1.call-start
scs
__scs_entry_jumppad:
0x0: {  	(pc) =	sbr.rel $0x88, $3  }
0x1: {  	(tag) =	ssettag $0x0;
	lr =	simm.s32 $0x1  }
0x2: {  	[smem:$0x3F9B] =	sst lr;
	_ =	strace $0xD0000000  }
0x3: {  	_ = 	snop  }
0x4: {  	_ = 	snop  }
0x5: {  	_ = 	snop  }
0x6: {  	_ = 	snop  }
0x7: {  	_ = 	snop  }
__scs_overlays_trampoline_lowered:
0x8: {  	[smem:$0x3FAA] =	sst s0  }
0x9: {  	[smem:$0x3FAB] =	sst s1  }
0xa: {  	[smem:$0x3FAC] =	sst s2  }
0xb: {  	[smem:$0x3FAD] =	sst s3  }
0xc: {  	[smem:$0x3FAE] =	sst s4  }
0xd: {  	[smem:$0x3FAF] =	sst s5  }
0xe: {  	[smem:$0x3FB0] =	sst s6  }
0xf: {  	[smem:$0x3FB1] =	sst s7  }
0x10: {  	[smem:$0x3FB2] =	sst s8  }
0x11: {  	[smem:$0x3FB3] =	sst s9;
	s0 =	simm.s32 @!p0 $0x0  }
0x12: {  	s1 =	sld [smem:$0x3F99];
	s0 =	simm.s32 @p0 $0x1  }
0x13: {  	[smem:$0x3FB4] =	sst s0;
	s0 =	simm.s32 @!p1 $0x0  }
0x14: {  	s2 =	sld [smem:$0x3F98];
	s0 =	simm.s32 @p1 $0x1  }
0x15: {  	[smem:$0x3FB5] =	sst s0;
	s0 =	simm.s32 @!p2 $0x0  }
0x16: {  	s3 =	sld [smem:$0x3FDB];
	s0 =	simm.s32 @p2 $0x1  }
0x17: {  	s4 =	simm.s32 $0x1BF5;
	[smem:$0x3FB7] =	sst s0  }
0x18: {  	s0 =	sld [smem:$0x3F9A];
	_ =	swait.ge [sflag:s4], $0x0  }
0x19: {  	s7 =	sld [smem:$0x3F9B]  }
0x1a: {  	s8 =	sadd.s32 $0xFFFFE003, lr  }
0x1b: {  	s9 =	sadd.s32 $0xFFFFFEF7, lr;
	s5 =	simm.s32 $0xFFFFFFFF;
	p2 =	slt.u32 s8, $0xFFFFF086  }
0x1c: {  	p1 =	slt.u32 s9, $0xF7A;
	s5 =	simm.s32 @!p2 $0x0  }
0x1d: {  	s5 =	simm.s32 @p1 $0x1;
	p0 =	seq.s32 s7, s2  }
0x1e: {  	s7 =	smul.u32 @!p0 $0xF7A, s2;
	p2 =	seq.s32 @!p0 s5, $0x0  }
0x1f: {  	s9 =	smul.u32 $0xF7A, s1;
	s8 =	simm.s32 @!p0 $0x1BF5;
	p2 =	por !p2, p0  }
0x20: {  	[sflag:s8] =	ssyncset.s32 @!p0 $0xFFFFF086;
	s6 =	sadd.s32 @!p0 s3, s7;
	s7 =	simm.s32 @!p0 $0x108  }
0x21: {  	s3 =	sadd.s32 s3, s9;
	s6 =	sadd.s32 @!p0 $0x88, s6;
	s7 =	simm.s32 @p2 $0x1082  }
0x22: {  	[simem:s7], [sflag:s8] =	dma.local @!p0 [hbm:s6], $0xF7A  }
0x23: {  	s9 =	sor.u32 $0xD0000000, s2;
	s6 =	simm.s32 $0x108;
	_ =	swait.ge @!p0 [sflag:s8], $0x0  }
0x24: {  	s3 =	sadd.s32 $0x88, s3;
	s6 =	simm.s32 @!p1 $0x1082;
	[sflag:s4] =	ssyncset.s32 $0xFFFFF086  }
0x25: {  	[simem:s6], [sflag:s4] =	dma.local [hbm:s3], $0xF7A  }
0x26: {  	[smem:$0x3F9B] =	sst s1;
	(tag) =	ssettag s2;
	_ =	strace s9  }
0x27: {  	s1 =	sld [smem:$0x3FAB]  }
0x28: {  	s2 =	sld [smem:$0x3FAC]  }
0x29: {  	s4 =	sld [smem:$0x3FAE]  }
0x2a: {  	p0 =	seq.s32 s5, $0x0;
	s5 =	sld [smem:$0x3FAF]  }
0x2b: {  	s6 =	sld [smem:$0x3FB0]  }
0x2c: {  	s7 =	sld [smem:$0x3FB1]  }
0x2d: {  	s3 =	simm.s32 $0x108;
	s8 =	sld [smem:$0x3FB2]  }
0x2e: {  	s3 =	simm.s32 @!p0 $0x1082;
	s9 =	sld [smem:$0x3FB3]  }
0x2f: {  	lr =	sadd.s32 s0, s3;
	s0 =	sld [smem:$0x3FAA]  }
0x30: {  	s3 =	sld [smem:$0x3FAD]  }
0x31: {  	[smem:$0x3FB6] =	sst s10  }
0x32: {  	s10 =	sld [smem:$0x3FB4];
	_ =	sdelay $0x3  }
0x33: {  	p0 =	seq.s32 s10, $0x1;
	s10 =	sld [smem:$0x3FB6];
	_ =	sdelay $0x3  }
0x34: {  	[smem:$0x3FB6] =	sst s10  }
0x35: {  	s10 =	sld [smem:$0x3FB5];
	_ =	sdelay $0x3  }
0x36: {  	p1 =	seq.s32 s10, $0x1;
	s10 =	sld [smem:$0x3FB6];
	_ =	sdelay $0x3  }
0x37: {  	[smem:$0x3FB6] =	sst s10  }
0x38: {  	s10 =	sld [smem:$0x3FB7]  }
0x39: {  	_ = 	snop;
	(pc) =	sbr.ind lr, $3  }
0x3a: {  	_ = 	snop  }
0x3b: {  	_ = 	snop  }
0x3c: {  	p2 =	seq.s32 s10, $0x1;
	s10 =	sld [smem:$0x3FB6]  }
0x3d: {  	_ =	shalt  }
0x3e: {  	_ =	shalt  }
0x3f: {  	_ =	shalt  }
0x40: {  	_ =	shalt  }
0x41: {  	_ =	shalt  }
0x42: {  	_ =	shalt  }
0x43: {  	_ =	shalt  }
0x44: {  	_ =	shalt  }
0x45: {  	_ =	shalt  }
0x46: {  	_ =	shalt  }
0x47: {  	_ =	shalt  }
0x48: {  	_ =	shalt  }
0x49: {  	_ =	shalt  }
0x4a: {  	_ =	shalt  }
0x4b: {  	_ =	shalt  }
0x4c: {  	_ =	shalt  }
0x4d: {  	_ =	shalt  }
0x4e: {  	_ =	shalt  }
0x4f: {  	_ =	shalt  }
0x50: {  	_ =	shalt  }
0x51: {  	_ =	shalt  }
0x52: {  	_ =	shalt  }
0x53: {  	_ =	shalt  }
0x54: {  	_ =	shalt  }
0x55: {  	_ =	shalt  }
0x56: {  	_ =	shalt  }
0x57: {  	_ =	shalt  }
0x58: {  	_ =	shalt  }
0x59: {  	_ =	shalt  }
0x5a: {  	_ =	shalt  }
0x5b: {  	_ =	shalt  }
0x5c: {  	_ =	shalt  }
0x5d: {  	_ =	shalt  }
0x5e: {  	_ =	shalt  }
0x5f: {  	_ =	shalt  }
0x60: {  	_ =	shalt  }
0x61: {  	_ =	shalt  }
0x62: {  	_ =	shalt  }
0x63: {  	_ =	shalt  }
0x64: {  	_ =	shalt  }
0x65: {  	_ =	shalt  }
0x66: {  	_ =	shalt  }
0x67: {  	_ =	shalt  }
0x68: {  	_ =	shalt  }
0x69: {  	_ =	shalt  }
0x6a: {  	_ =	shalt  }
0x6b: {  	_ =	shalt  }
0x6c: {  	_ =	shalt  }
0x6d: {  	_ =	shalt  }
0x6e: {  	_ =	shalt  }
0x6f: {  	_ =	shalt  }
0x70: {  	_ =	shalt  }
0x71: {  	_ =	shalt  }
0x72: {  	_ =	shalt  }
0x73: {  	_ =	shalt  }
0x74: {  	_ =	shalt  }
0x75: {  	_ =	shalt  }
0x76: {  	_ =	shalt  }
0x77: {  	_ =	shalt  }
0x78: {  	_ =	shalt  }
0x79: {  	_ =	shalt  }
0x7a: {  	_ =	shalt  }
0x7b: {  	_ =	shalt  }
0x7c: {  	_ =	shalt  }
0x7d: {  	_ =	shalt  }
0x7e: {  	_ =	shalt  }
0x7f: {  	_ =	shalt  }
0x80: {  	_ =	shalt  }
0x81: {  	_ =	shalt  }
0x82: {  	_ =	shalt  }
0x83: {  	_ =	shalt  }
0x84: {  	_ =	shalt  }
0x85: {  	_ =	shalt  }
0x86: {  	_ =	shalt  }
0x87: {  	_ =	shalt  }
.Lfunc_end0:
.L_simem_size_0:
called_computation_lowered:
.L_overlay_start_0:
0x88: {  	s2 =	sld [smem:$0x3FD9]  }
0x89: {  	s3 =	sld [smem:$0x3FFE];
	_ =	sdelay $0x1  }
0x8a: {  	s1 =	srdreg.scid  }
0x8b: {  	s0 =	sand.u32 $0x1, s1  }
0x8c: {  	s17 =	sshll.u32 s0, $0xA;
	s2 =	sadd.s32 s3, s2  }
0x8d: {  	s2 =	sadd.s32 s2, s17  }
0x8e: {  	[smem:$0x3FC2] =	sst s2  }
0x8f: {  	_ = 	snop  }
0x90: {  	s2 =	sld [smem:$0x3FD0];
	(tm) =	ssettm $0x1  }
0x91: {  	s18 =	sld [smem:$0x3FFB];
	_ =	sdelay $0x3  }
0x92: {  	_ =	strace s18  }
0x93: {  	s3 =	sld [smem:$0x3FFC];
	_ =	sdelay $0x3  }
0x94: {  	_ =	strace s3  }
0x95: {  	s3 =	sld [smem:$0x3FFD];
	_ =	sdelay $0x3  }
0x96: {  	_ =	strace s3  }
0x97: {  	_ =	strace $0x8FFFFFFF  }
0x98: {  	s19 =	sld [smem:$0x3FDB];
	_ =	sdelay $0x1  }
0x99: {  	s4 =	simm.s32 $_scs_section_size  }
0x9a: {  	s5 =	simm.s32 $_size__tile_overlayer_lowered;
	s6 =	simm.s32 $_tile_overlayer_lowered  }
0x9b: {  	s22 =	simm.s32 $0x1BFF;
	s21 =	sshll.u32 s6, $0x1;
	s3 =	sadd.s32 s4, s19  }
0x9c: {  	s7 =	simm.s32 $0x0;
	s20 =	sshll.u32 s5, $0x1;
	s5 =	sadd.s32 s21, s3  }
0x9d: {  	[timem:s7], [sflag:s22] =	dma.local [hbm:s5], s20  }
0x9e: {  	_ =	swait.ge [sflag:s22], s20  }
0x9f: {  	s4 =	ssub.s32 $0x0, s20;
	[sflag:s22] =	ssyncset.done $0x0  }
0xa0: {  	[sflag:s22] =	ssyncadd.s32 s4;
	_ =	sdelay $0x1  }
0xa1: {  	s23 =	simm.s32 $0x1B8B  }
0xa2: {  	_ =	swait.ge [sflag:s23], $0x1  }
0xa3: {  	[sflag:s23] =	ssyncset.done $0x0  }
0xa4: {  	s25 =	simm.s32 $0x1B8E;
	s24 =	sld [smem:$0x3FFE];
	[sflag:s23] =	ssyncadd.s32 $0xFFFFFFFF  }
0xa5: {  	s26 =	simm.s32 $execute0_lowered;
	[smem:$0x3FD2] =	sst s25  }
0xa6: {  	s5 =	sshll.u32 s26, $0x1;
	_ =	strace $0x80000046;
	[dreg:$0x1] =	wrdreg $0xFFFFFFFF  }
0xa7: {  	s28 =	simm.s32 $_size_execute0_lowered;
	s3 =	sadd.s32 s3, s5;
	[dreg:$0x0] =	wrdreg $0x0  }
0xa8: {  	s5 =	sshll.u32 s28, $0x1;
	[dreg:$0x2] =	wrdreg s3  }
0xa9: {  	[dreg:$0x3] =	wrdreg s5  }
0xaa: {  	[dreg:$0x4] =	wrdreg $0xC0  }
0xab: {  	_ =	task [dreg:s7], $0x5FFFF  }
0xac: {  	[dreg:$0x1] =	wrdreg $0xFFFFFFFF  }
0xad: {  	[dreg:$0x0] =	wrdreg $0x60  }
0xae: {  	[dreg:$0x2] =	wrdreg s24  }
0xaf: {  	[dreg:$0x3] =	wrdreg s2  }
0xb0: {  	[dreg:$0x4] =	wrdreg $0x9  }
0xb1: {  	_ =	task.clear_ibuf [dreg:s7], $0x5FFFF;
	_ =	strace $0x90000046  }
0xb2: {  	s29 =	simm.s32 $0x9;
	_ =	strace $0x8000004F  }
0xb3: {  	_ =	swait.ge [sflag:s29], $0x1  }
0xb4: {  	[sflag:s29] =	ssyncadd.s32 $0xFFFFFFFF  }
0xb5: {  	_ =	strace $0x9000004F  }
0xb6: {  	_ =	sfence  }
0xb7: {  	s30 =	sld [smem:$0x0];
	_ =	sdelay $0x2  }
0xb8: {  	s31 =	sshll.u32 s1, $0xD;
	s1 =	sshrl.u32 s1, $0x2  }
0xb9: {  	s3 =	sand.u32 $0x4000, s31;
	s1 =	sadd.s32 s1, s30  }
0xba: {  	s0 =	sor.u32 s3, s0;
	s1 =	sshll.u32 s1, $0x11  }
0xbb: {  	s0 =	sor.u32 s1, s0  }
0xbc: {  	s0 =	sadd.s32 $0x8F2B, s0  }
0xbd: {  	[sflag:s0] =	ssyncadd.remote.s32 $0x1  }
0xbe: {  	_ =	sfence.sel $0xFFFF  }
0xbf: {  	[dreg:$0x0] =	wrdreg $0xFFFFFFFF;
	(pc) =	sbr.abs _section_cstart, $3  }
0xc0: {  	[dreg:$0x1] =	wrdreg $0xFFFFFFFF  }
0xc1: {  	_ =	task.clear_ibuf [dreg:s7], $0x2FFFF;
	_ =	strace $0x9FFFFFFF  }
0xc2: {  	(tm) =	ssettm $0x7FFFFFFF  }
0xc3: {  	_ =	shalt  }
tec
execute0_lowered:
.L_overlay_start_1:
0x0: {  	(tag) =	ssettag $0x1  }
0x1: {  	s5 =	rddreg [dreg:$0x0];
	s0 =	srdreg.scid  }
0x2: {  	s1 =	rddreg [dreg:$0x1];
	s6 =	sand.u32 $0x1, s0  }
0x3: {  	[dreg:$0x3] =	wrdreg s1;
	s1 =	stileid.u32;
	s3 =	sshll.u32 s6, $0x4  }
0x4: {  	s2 =	simm.s32 $0x0;
	s11 =	simm.s32 $0x80;
	s4 =	sor.u32 s1, s3  }
0x5: {  	s12 =	simm.s32 $0x0;
	[smem:$0x7FF] =	sst s2;
	s7 =	smul.u32 $0x61, s4  }
0x6: {  	_ =	strace $0x80000047;
	s29 =	ssub.s32 $0x2, s6;
	s8 =	smul.u32 $0x62, s4  }
0x7: {  	s6 =	simm.s32 $0x62;
	p0 =	slt.u32 s4, $0x15;
	s4 =	sadd.s32 $0x15, s7  }
0x8: {  	s3 =	sadd.s32 $0x63800, s5;
	s5 =	sadd.s32 $0x1C00, s5;
	s4 =	smov.u32 @p0 s8  }
0x9: {  	s30 =	sshrl.u32 s29, $0x1;
	s6 =	simm.s32 @!p0 $0x61;
	s9 =	sshll.u32 s4, $0x7  }
0xa: {  	s10 =	ssub.s32 s29, s30;
	s8 =	sadd.s32 $0xFFFFFFFF, s6;
	s31 =	sand.u32 $0x1FFFFF80, s9  }
0xb: {  	s9 =	smax.u32 s10, $0x1;
	s10 =	simm.s32 $0x1;
	s7 =	sadd.s32 s5, s31  }
.LBB2_1:
0xc: {  	_ =	strace $0x80000048  }
0xd: {  	p0 =	seq.s32 s6, $0x1;
	s14 =	simm.s32 $0x1;
	p3 =	sne.s32 s6, $0x1  }
0xe: {  	[tilespmem:s2], [sflag:$0x2] =	stream.linear.gather [hbm4b:s7+s2], $0x400, $0x200038;
	[tilespmem:$0x8800] =	vst v63  }
.Ltmp0:
0xf: {  	s14 =	simm.s32 @p0 $0x0;
	(pc) =	sbr.rel @!p3 .LBB2_2-.Ltmp0, $4  }
0x10: {  	p1 =	sgt.u32 s8, $0x0;
	p0 =	sne.s32 s14, $0x0  }
0x11: {  	s13 =	simm.s32 $0x1;
	p2 =	por !p1, !p0  }
0x12: {  	_ =	strace $0x90000048;
	p1 =	por $0x1, $0x1;
	p4 =	por !p2, !p2  }
0x13: {  	p2 =	por $0x0, $0x0;
	s25 =	sand.u32 @p4 $0x1, s10;
	s28 =	sadd.s32 @p4 s4, s14  }
0x14: {  	s15 =	sshll.u32 @p4 s28, $0x7  }
0x15: {  	s16 =	simm.s32 @p4 $0x0;
	s17 =	sshll.u32 @p4 s25, $0xA;
	s15 =	sand.u32 @p4 $0x1FFFFF80, s15  }
0x16: {  	s18 =	sor.u32 @p4 $0x2, s25;
	_ =	strace @p4 $0x80000049;
	s15 =	sadd.s32 @p4 s5, s15  }
0x17: {  	[tilespmem:s17], [sflag:s18] =	stream.linear.gather @p4 [hbm4b:s15+s16], $0x400, $0x200038;
	[tilespmem:$0x8800] =	vst v63  }
0x18: {  	s17 =	sand.u32 $0x1, s2;
	_ =	strace @p4 $0x90000049  }
0x19: {  	s26 =	sor.u32 $0x2, s17;
	_ =	strace $0x8000004A  }
0x1a: {  	_ =	swait.ge [sflag:s26], $0x400  }
0x1b: {  	[sflag:s26] =	ssyncset.done $0x0  }
0x1c: {  	[sflag:s26] =	ssyncadd.s32 $0xFFFFFC00  }
0x1d: {  	s30 =	simm.s32 $0x0;
	s18 =	sshll.u32 s17, $0xE;
	_ =	strace $0x9000004A  }
0x1e: {  	s15 =	sand.u32 $0x400, s30;
	s16 =	sor.u32 $0x800, s18;
	_ =	strace $0x8000004B  }
0x1f: {  	[tilespmem:s16], [sflag:$0x1] =	stream.indirect.gather [hbm4b:s3+s11], $0x10, s15, s11, $0x2000b8;
	[tilespmem:$0x8800] =	vst v63  }
0x20: {  	s20 =	sor.u32 $0x80, s15;
	s19 =	sor.u32 $0x1000, s18  }
0x21: {  	[tilespmem:s19], [sflag:$0x1] =	stream.indirect.gather [hbm4b:s3+s11], $0x10, s20, s11, $0x2000b8;
	[tilespmem:$0x8800] =	vst v63  }
0x22: {  	s0 =	sor.u32 $0x100, s15;
	s31 =	sor.u32 $0x1800, s18  }
0x23: {  	[tilespmem:s31], [sflag:$0x1] =	stream.indirect.gather [hbm4b:s3+s11], $0x10, s0, s11, $0x2000b8;
	[tilespmem:$0x8800] =	vst v63  }
0x24: {  	s22 =	sor.u32 $0x180, s15;
	s21 =	sor.u32 $0x2000, s18  }
0x25: {  	[tilespmem:s21], [sflag:$0x1] =	stream.indirect.gather [hbm4b:s3+s11], $0x10, s22, s11, $0x2000b8;
	[tilespmem:$0x8800] =	vst v63  }
0x26: {  	s24 =	sor.u32 $0x200, s15;
	s23 =	sor.u32 $0x2800, s18  }
0x27: {  	[tilespmem:s23], [sflag:$0x1] =	stream.indirect.gather [hbm4b:s3+s11], $0x10, s24, s11, $0x2000b8;
	[tilespmem:$0x8800] =	vst v63  }
0x28: {  	s25 =	sor.u32 $0x3000, s18;
	s26 =	sor.u32 $0x280, s15  }
0x29: {  	[tilespmem:s25], [sflag:$0x1] =	stream.indirect.gather [hbm4b:s3+s11], $0x10, s26, s11, $0x2000b8;
	[tilespmem:$0x8800] =	vst v63  }
0x2a: {  	s30 =	sor.u32 $0x3800, s18;
	s31 =	sor.u32 $0x300, s15  }
0x2b: {  	[tilespmem:s30], [sflag:$0x1] =	stream.indirect.gather [hbm4b:s3+s11], $0x10, s31, s11, $0x2000b8;
	[tilespmem:$0x8800] =	vst v63  }
0x2c: {  	s18 =	sadd.s32 $0x4000, s18;
	s15 =	sor.u32 $0x380, s15  }
0x2d: {  	[tilespmem:s18], [sflag:$0x1] =	stream.indirect.gather [hbm4b:s3+s11], $0x10, s15, s11, $0x2000b8;
	[tilespmem:$0x8800] =	vst v63  }
0x2e: {  	_ =	swait.ge [sflag:s10], $0x800  }
0x2f: {  	[sflag:s10] =	ssyncset.done $0x0  }
0x30: {  	[sflag:s10] =	ssyncadd.s32 $0xFFFFF800  }
0x31: {  	_ =	swait.ge [sflag:s10], $0x800  }
0x32: {  	[sflag:s10] =	ssyncset.done $0x0  }
0x33: {  	[sflag:s10] =	ssyncadd.s32 $0xFFFFF800  }
0x34: {  	_ =	swait.ge [sflag:s10], $0x800  }
0x35: {  	[sflag:s10] =	ssyncset.done $0x0  }
0x36: {  	[sflag:s10] =	ssyncadd.s32 $0xFFFFF800  }
0x37: {  	_ =	swait.ge [sflag:s10], $0x800  }
0x38: {  	p5 =	sne.s32 s6, $0x2;
	[sflag:s10] =	ssyncset.done $0x0  }
0x39: {  	p3 =	por p1, p1;
	p2 =	seq.s32 s8, $0x0;
	[sflag:s10] =	ssyncadd.s32 $0xFFFFF800  }
0x3a: {  	p6 =	por p2, p0;
	s21 =	sadd.s32 $0x0, s4;
	_ =	swait.ge [sflag:s10], $0x800  }
0x3b: {  	s20 =	sadd.s32 $0x1, s14;
	s22 =	sshll.u32 @p6 s21, $0xB;
	[sflag:s10] =	ssyncset.done $0x0  }
0x3c: {  	s21 =	simm.s32 $0x0;
	s24 =	simm.s32 $0x1;
	[sflag:s10] =	ssyncadd.s32 $0xFFFFF800  }
0x3d: {  	s24 =	simm.s32 @!p6 $0x0;
	s26 =	sor.u32 @p6 $0x4, s17;
	_ =	swait.ge [sflag:s10], $0x800  }
0x3e: {  	s17 =	simm.s32 $0x0;
	s15 =	simm.s32 $0x1;
	[sflag:s10] =	ssyncset.done $0x0  }
0x3f: {  	s18 =	simm.s32 $0x2;
	s15 =	simm.s32 @!p4 $0x0;
	[sflag:s10] =	ssyncadd.s32 $0xFFFFF800  }
0x40: {  	p4 =	por $0x0, $0x0;
	s19 =	sadd.s32 $0x1, s15;
	_ =	swait.ge [sflag:s10], $0x800  }
0x41: {  	s15 =	sand.u32 @!p1 $0x1, s2;
	p1 =	por $0x0, $0x0;
	[sflag:s10] =	ssyncset.done $0x0  }
0x42: {  	s23 =	sor.u32 @!p3 $0x4, s15;
	s15 =	simm.s32 $0x1;
	[sflag:s10] =	ssyncadd.s32 $0xFFFFF800  }
0x43: {  	s15 =	simm.s32 @!p4 $0x0;
	p4 =	seq.s32 s20, s6;
	_ =	swait.ge [sflag:s10], $0x800  }
.Ltmp1:
0x44: {  	s20 =	simm.s32 @p4 $0x0;
	[sflag:s10] =	ssyncset.done $0x0;
	(pc) =	sbr.rel @!p5 .LBB2_4-.Ltmp1, $4  }
0x45: {  	p4 =	sgt.u32 s8, $0x1;
	p0 =	sne.s32 s14, s20;
	[sflag:s10] =	ssyncadd.s32 $0xFFFFF800  }
0x46: {  	s15 =	sadd.s32 $0x0, s15;
	p2 =	por !p4, !p0;
	_ =	strace $0x9000004B  }
0x47: {  	p4 =	por !p2, !p2;
	p2 =	por $0x1, $0x1;
	_ =	strace @p6 $0x8000004C  }
0x48: {  	s25 =	sand.u32 @p4 $0x1, s19;
	s28 =	sadd.s32 @p4 s4, s20;
	s29 =	rddreg [dreg:$0x3]  }
.LBB2_5:
0x49: {  	s30 =	sand.u32 @p6 $0x1FFFF800, s22;
	s17 =	sadd.s32 s24, s17  }
0x4a: {  	s31 =	simm.s32 @p6 $0x0;
	s21 =	sadd.s32 s24, s21;
	s24 =	sadd.s32 @p6 s29, s30  }
0x4b: {  	[hbm4b:s24+s31] =	stream.linear.scatter @p6 [tilespmem:s16], [sflag:s26], $0x4000, $0x200038;
	[tilespmem:$0x8800] =	vst v63  }
0x4c: {  	_ =	strace @p6 $0x9000004C  }
0x4d: {  	_ =	strace @!p3 $0x8000004D  }
0x4e: {  	s28 =	sshll.u32 @p4 s28, $0x7;
	_ =	swait.ge @!p3 [sflag:s23], $0x4000  }
0x4f: {  	s28 =	sand.u32 @p4 $0x1FFFFF80, s28;
	s16 =	simm.s32 $0x1;
	[sflag:s23] =	ssyncset.done @!p3 $0x0  }
0x50: {  	s28 =	sadd.s32 @p4 s5, s28;
	s16 =	simm.s32 @!p4 $0x0;
	[sflag:s23] =	ssyncadd.s32 @!p3 $0xFFFFC000  }
0x51: {  	s19 =	sadd.s32 s16, s19;
	s16 =	simm.s32 @p4 $0x0;
	_ =	strace @!p3 $0x9000004D  }
0x52: {  	s23 =	sshll.u32 @p4 s25, $0xA;
	s25 =	sor.u32 @p4 $0x2, s25;
	_ =	strace @p4 $0x80000049  }
0x53: {  	[tilespmem:s23], [sflag:s25] =	stream.linear.gather @p4 [hbm4b:s28+s16], $0x400, $0x200038;
	[tilespmem:$0x8800] =	vst v63  }
0x54: {  	s0 =	sand.u32 $0x1, s21;
	_ =	strace @p4 $0x90000049  }
0x55: {  	s0 =	sor.u32 $0x2, s0;
	_ =	strace $0x8000004A  }
0x56: {  	_ =	swait.ge [sflag:s0], $0x400  }
0x57: {  	[sflag:s0] =	ssyncset.done $0x0  }
0x58: {  	s25 =	sand.u32 $0x1, s17;
	[sflag:s0] =	ssyncadd.s32 $0xFFFFFC00  }
0x59: {  	s31 =	sshll.u32 s21, $0xA;
	s0 =	sshll.u32 s25, $0xE;
	_ =	strace $0x9000004A  }
0x5a: {  	s23 =	sand.u32 $0x400, s31;
	s16 =	sor.u32 $0x800, s0;
	_ =	strace $0x8000004B  }
0x5b: {  	[tilespmem:s16], [sflag:$0x1] =	stream.indirect.gather [hbm4b:s3+s11], $0x10, s23, s11, $0x2000b8;
	[tilespmem:$0x8800] =	vst v63  }
0x5c: {  	s28 =	sor.u32 $0x80, s23;
	s30 =	sor.u32 $0x1000, s0  }
0x5d: {  	[tilespmem:s30], [sflag:$0x1] =	stream.indirect.gather [hbm4b:s3+s11], $0x10, s28, s11, $0x2000b8;
	[tilespmem:$0x8800] =	vst v63  }
0x5e: {  	s31 =	sor.u32 $0x1800, s0;
	s28 =	sor.u32 $0x100, s23  }
0x5f: {  	[tilespmem:s31], [sflag:$0x1] =	stream.indirect.gather [hbm4b:s3+s11], $0x10, s28, s11, $0x2000b8;
	[tilespmem:$0x8800] =	vst v63  }
0x60: {  	s30 =	sor.u32 $0x2000, s0;
	s28 =	sor.u32 $0x180, s23  }
0x61: {  	[tilespmem:s30], [sflag:$0x1] =	stream.indirect.gather [hbm4b:s3+s11], $0x10, s28, s11, $0x2000b8;
	[tilespmem:$0x8800] =	vst v63  }
0x62: {  	s31 =	sor.u32 $0x2800, s0;
	s28 =	sor.u32 $0x200, s23  }
0x63: {  	[tilespmem:s31], [sflag:$0x1] =	stream.indirect.gather [hbm4b:s3+s11], $0x10, s28, s11, $0x2000b8;
	[tilespmem:$0x8800] =	vst v63  }
0x64: {  	s30 =	sor.u32 $0x3000, s0;
	s28 =	sor.u32 $0x280, s23  }
0x65: {  	[tilespmem:s30], [sflag:$0x1] =	stream.indirect.gather [hbm4b:s3+s11], $0x10, s28, s11, $0x2000b8;
	[tilespmem:$0x8800] =	vst v63  }
0x66: {  	s31 =	sor.u32 $0x3800, s0;
	s28 =	sor.u32 $0x300, s23  }
0x67: {  	[tilespmem:s31], [sflag:$0x1] =	stream.indirect.gather [hbm4b:s3+s11], $0x10, s28, s11, $0x2000b8;
	[tilespmem:$0x8800] =	vst v63  }
0x68: {  	s0 =	sadd.s32 $0x4000, s0;
	s23 =	sor.u32 $0x380, s23  }
0x69: {  	[tilespmem:s0], [sflag:$0x1] =	stream.indirect.gather [hbm4b:s3+s11], $0x10, s23, s11, $0x2000b8;
	[tilespmem:$0x8800] =	vst v63  }
0x6a: {  	_ =	swait.ge [sflag:s10], $0x800  }
0x6b: {  	[sflag:s10] =	ssyncset.done $0x0  }
0x6c: {  	[sflag:s10] =	ssyncadd.s32 $0xFFFFF800  }
0x6d: {  	_ =	swait.ge [sflag:s10], $0x800  }
0x6e: {  	[sflag:s10] =	ssyncset.done $0x0  }
0x6f: {  	[sflag:s10] =	ssyncadd.s32 $0xFFFFF800  }
0x70: {  	_ =	swait.ge [sflag:s10], $0x800  }
0x71: {  	[sflag:s10] =	ssyncset.done $0x0  }
0x72: {  	[sflag:s10] =	ssyncadd.s32 $0xFFFFF800  }
0x73: {  	_ =	swait.ge [sflag:s10], $0x800  }
0x74: {  	[sflag:s10] =	ssyncset.done $0x0  }
0x75: {  	s22 =	smov.u32 s13;
	[sflag:s10] =	ssyncadd.s32 $0xFFFFF800  }
0x76: {  	s13 =	smov.u32 s18;
	s18 =	sadd.s32 $0x1, s18;
	_ =	swait.ge [sflag:s10], $0x800  }
0x77: {  	p5 =	sne.s32 s6, s18;
	[sflag:s10] =	ssyncset.done $0x0  }
0x78: {  	s24 =	sand.u32 @!p1 $0x1, s15;
	p6 =	sne.s32 s22, $0x0;
	[sflag:s10] =	ssyncadd.s32 $0xFFFFF800  }
0x79: {  	p4 =	seq.s32 s8, s22;
	s22 =	simm.s32 $0x1;
	_ =	swait.ge [sflag:s10], $0x800  }
0x7a: {  	p3 =	por p1, p1;
	s22 =	simm.s32 @!p6 $0x0;
	[sflag:s10] =	ssyncset.done $0x0  }
0x7b: {  	p1 =	seq.s32 s13, $0x0;
	s15 =	sadd.s32 s22, s15;
	[sflag:s10] =	ssyncadd.s32 $0xFFFFF800  }
0x7c: {  	s0 =	sadd.s32 s4, s14;
	s14 =	smov.u32 s20;
	_ =	swait.ge [sflag:s10], $0x800  }
0x7d: {  	s23 =	sor.u32 @!p3 $0x4, s24;
	s20 =	sadd.s32 $0x1, s20;
	[sflag:s10] =	ssyncset.done $0x0  }
0x7e: {  	s24 =	simm.s32 $0x1;
	p6 =	seq.s32 s20, s6;
	[sflag:s10] =	ssyncadd.s32 $0xFFFFF800  }
0x7f: {  	s20 =	simm.s32 @p6 $0x0;
	p6 =	por p4, p0;
	_ =	swait.ge [sflag:s10], $0x800  }
.Ltmp2:
0x80: {  	p4 =	slt.u32 s13, s8;
	[sflag:s10] =	ssyncset.done $0x0;
	(pc) =	sbr.rel @p5 .LBB2_5-.Ltmp2, $4  }
0x81: {  	p0 =	sne.s32 s14, s20;
	s26 =	sor.u32 @p6 $0x4, s25;
	[sflag:s10] =	ssyncadd.s32 $0xFFFFF800  }
0x82: {  	s22 =	sshll.u32 @p6 s0, $0xB;
	p4 =	por !p4, !p0;
	_ =	strace $0x9000004B  }
0x83: {  	s24 =	simm.s32 @!p6 $0x0;
	p4 =	por !p4, !p4;
	_ =	strace @p6 $0x8000004C  }
0x84: {  	s25 =	sand.u32 @p4 $0x1, s19;
	s28 =	sadd.s32 @p4 s4, s20;
	s29 =	rddreg [dreg:$0x3]  }
.LBB2_6:
0x85: {  	p5 =	por !p6, !p2  }
0x86: {  	s0 =	sand.u32 @!p5 $0x1FFFF800, s22  }
0x87: {  	s18 =	simm.s32 @!p5 $0x0;
	s0 =	sadd.s32 @!p5 s29, s0  }
0x88: {  	[hbm4b:s0+s18] =	stream.linear.scatter @!p5 [tilespmem:s16], [sflag:s26], $0x4000, $0x200038;
	[tilespmem:$0x8800] =	vst v63  }
0x89: {  	p3 =	por p3, !p2;
	_ =	strace @!p5 $0x9000004C  }
0x8a: {  	_ =	strace @!p3 $0x8000004D  }
0x8b: {  	s19 =	sshll.u32 @p4 s25, $0xA;
	_ =	swait.ge @!p3 [sflag:s23], $0x4000  }
0x8c: {  	s20 =	sor.u32 @p4 $0x2, s25;
	s0 =	sshll.u32 @p4 s28, $0x7;
	[sflag:s23] =	ssyncset.done @!p3 $0x0  }
0x8d: {  	s16 =	sadd.s32 @p2 s24, s21;
	s18 =	simm.s32 $0x0;
	[sflag:s23] =	ssyncadd.s32 @!p3 $0xFFFFC000  }
0x8e: {  	s0 =	sand.u32 @p4 $0x1FFFFF80, s0;
	s18 =	smov.u32 @p2 s16;
	_ =	strace @!p3 $0x9000004D  }
0x8f: {  	s16 =	simm.s32 @p4 $0x0;
	s0 =	sadd.s32 @p4 s5, s0;
	_ =	strace @p4 $0x80000049  }
0x90: {  	[tilespmem:s19], [sflag:s20] =	stream.linear.gather @p4 [hbm4b:s0+s16], $0x400, $0x200038;
	[tilespmem:$0x8800] =	vst v63  }
0x91: {  	s28 =	sand.u32 $0x1, s18;
	_ =	strace @p4 $0x90000049  }
0x92: {  	s0 =	sor.u32 $0x2, s28;
	_ =	strace $0x8000004A  }
0x93: {  	s16 =	sadd.s32 @p2 s24, s17;
	s17 =	simm.s32 $0x0;
	_ =	swait.ge [sflag:s0], $0x400  }
0x94: {  	s17 =	smov.u32 @p2 s16;
	[sflag:s0] =	ssyncset.done $0x0  }
0x95: {  	[sflag:s0] =	ssyncadd.s32 $0xFFFFFC00;
	s0 =	sand.u32 $0x1, s17  }
0x96: {  	s29 =	sshll.u32 s18, $0xA;
	_ =	strace $0x9000004A;
	s17 =	sshll.u32 s0, $0xE  }
0x97: {  	s16 =	sand.u32 $0x400, s29;
	_ =	strace $0x8000004B;
	s18 =	sor.u32 $0x800, s17  }
0x98: {  	[tilespmem:s18], [sflag:$0x1] =	stream.indirect.gather [hbm4b:s3+s11], $0x10, s16, s11, $0x2000b8;
	[tilespmem:$0x8800] =	vst v63  }
0x99: {  	s31 =	sor.u32 $0x80, s16;
	s30 =	sor.u32 $0x1000, s17  }
0x9a: {  	[tilespmem:s30], [sflag:$0x1] =	stream.indirect.gather [hbm4b:s3+s11], $0x10, s31, s11, $0x2000b8;
	[tilespmem:$0x8800] =	vst v63  }
0x9b: {  	s21 =	sor.u32 $0x100, s16;
	s20 =	sor.u32 $0x1800, s17  }
0x9c: {  	[tilespmem:s20], [sflag:$0x1] =	stream.indirect.gather [hbm4b:s3+s11], $0x10, s21, s11, $0x2000b8;
	[tilespmem:$0x8800] =	vst v63  }
0x9d: {  	s23 =	sor.u32 $0x180, s16;
	s22 =	sor.u32 $0x2000, s17  }
0x9e: {  	[tilespmem:s22], [sflag:$0x1] =	stream.indirect.gather [hbm4b:s3+s11], $0x10, s23, s11, $0x2000b8;
	[tilespmem:$0x8800] =	vst v63  }
0x9f: {  	s25 =	sor.u32 $0x200, s16;
	s24 =	sor.u32 $0x2800, s17  }
0xa0: {  	[tilespmem:s24], [sflag:$0x1] =	stream.indirect.gather [hbm4b:s3+s11], $0x10, s25, s11, $0x2000b8;
	[tilespmem:$0x8800] =	vst v63  }
0xa1: {  	s28 =	sor.u32 $0x280, s16;
	s26 =	sor.u32 $0x3000, s17  }
0xa2: {  	[tilespmem:s26], [sflag:$0x1] =	stream.indirect.gather [hbm4b:s3+s11], $0x10, s28, s11, $0x2000b8;
	[tilespmem:$0x8800] =	vst v63  }
0xa3: {  	s29 =	sor.u32 $0x3800, s17;
	s30 =	sor.u32 $0x300, s16  }
0xa4: {  	[tilespmem:s29], [sflag:$0x1] =	stream.indirect.gather [hbm4b:s3+s11], $0x10, s30, s11, $0x2000b8;
	[tilespmem:$0x8800] =	vst v63  }
0xa5: {  	s17 =	sadd.s32 $0x4000, s17;
	s16 =	sor.u32 $0x380, s16  }
0xa6: {  	[tilespmem:s17], [sflag:$0x1] =	stream.indirect.gather [hbm4b:s3+s11], $0x10, s16, s11, $0x2000b8;
	[tilespmem:$0x8800] =	vst v63  }
0xa7: {  	_ =	swait.ge [sflag:s10], $0x800  }
0xa8: {  	[sflag:s10] =	ssyncset.done $0x0  }
0xa9: {  	[sflag:s10] =	ssyncadd.s32 $0xFFFFF800  }
0xaa: {  	_ =	swait.ge [sflag:s10], $0x800  }
0xab: {  	[sflag:s10] =	ssyncset.done $0x0  }
0xac: {  	[sflag:s10] =	ssyncadd.s32 $0xFFFFF800  }
0xad: {  	_ =	swait.ge [sflag:s10], $0x800  }
0xae: {  	[sflag:s10] =	ssyncset.done $0x0  }
0xaf: {  	[sflag:s10] =	ssyncadd.s32 $0xFFFFF800  }
0xb0: {  	_ =	swait.ge [sflag:s10], $0x800  }
0xb1: {  	[sflag:s10] =	ssyncset.done $0x0  }
0xb2: {  	[sflag:s10] =	ssyncadd.s32 $0xFFFFF800  }
0xb3: {  	_ =	swait.ge [sflag:s10], $0x800  }
0xb4: {  	[sflag:s10] =	ssyncset.done $0x0  }
0xb5: {  	[sflag:s10] =	ssyncadd.s32 $0xFFFFF800  }
0xb6: {  	_ =	swait.ge [sflag:s10], $0x800  }
0xb7: {  	[sflag:s10] =	ssyncset.done $0x0  }
0xb8: {  	[sflag:s10] =	ssyncadd.s32 $0xFFFFF800  }
0xb9: {  	_ =	swait.ge [sflag:s10], $0x800  }
0xba: {  	[sflag:s10] =	ssyncset.done $0x0  }
0xbb: {  	[sflag:s10] =	ssyncadd.s32 $0xFFFFF800  }
0xbc: {  	_ =	swait.ge [sflag:s10], $0x800  }
0xbd: {  	[sflag:s10] =	ssyncset.done $0x0  }
0xbe: {  	p6 =	seq.s32 s8, s13;
	[sflag:s10] =	ssyncadd.s32 $0xFFFFF800  }
0xbf: {  	s14 =	sadd.s32 s4, s14;
	p0 =	por p6, p0;
	_ =	strace $0x9000004B  }
0xc0: {  	s14 =	sshll.u32 @p0 s14, $0xB;
	_ =	strace @p0 $0x8000004C  }
0xc1: {  	s14 =	sand.u32 @p0 $0x1FFFF800, s14;
	s16 =	rddreg [dreg:$0x3]  }
0xc2: {  	s0 =	sor.u32 @p0 $0x4, s0;
	s17 =	simm.s32 @p0 $0x0;
	s14 =	sadd.s32 @p0 s16, s14  }
0xc3: {  	[hbm4b:s14+s17] =	stream.linear.scatter @p0 [tilespmem:s18], [sflag:s0], $0x4000, $0x200038;
	[tilespmem:$0x8800] =	vst v63  }
0xc4: {  	s0 =	sand.u32 @!p1 $0x1, s15;
	p1 =	por p1, p1;
	_ =	strace @p0 $0x9000004C  }
0xc5: {  	s0 =	sor.u32 @!p1 $0x4, s0;
	_ =	strace @!p1 $0x8000004D  }
0xc6: {  	p0 =	sne.s32 s13, $0x0;
	s13 =	simm.s32 $0x1;
	_ =	swait.ge @!p1 [sflag:s0], $0x4000  }
0xc7: {  	s13 =	simm.s32 @!p0 $0x0;
	[sflag:s0] =	ssyncset.done @!p1 $0x0  }
0xc8: {  	s12 =	sadd.s32 $0x1, s12;
	s13 =	sadd.s32 s13, s15;
	[sflag:s0] =	ssyncadd.s32 @!p1 $0xFFFFC000  }
0xc9: {  	p0 =	sne.s32 s12, s9;
	s31 =	sand.u32 $0x1, s13;
	_ =	strace @!p1 $0x9000004D  }
.Ltmp3:
0xca: {  	s0 =	sor.u32 $0x4, s31;
	_ =	strace $0x8000004E;
	(pc) =	sbr.rel @p0 .LBB2_1-.Ltmp3, $4  }
.Ltmp4:
0xcb: {  	_ =	swait.ge [sflag:s0], $0x4000;
	(pc) =	sbr.rel @!p0 .LBB2_7-.Ltmp4, $4  }
0xcc: {  	[sflag:s0] =	ssyncset.done $0x0  }
0xcd: {  	[sflag:s0] =	ssyncadd.s32 $0xFFFFC000  }
0xce: {  	_ =	strace $0x9000004E  }
0xcf: {  	_ = 	snop  }
.LBB2_2:
.Ltmp5:
0xd0: {  	(pc) =	sbr.rel .LBB2_6-.Ltmp5, $3  }
0xd1: {  	_ =	sdelay $0x1  }
0xd2: {  	s17 =	simm.s32 $0x0;
	s13 =	simm.s32 $0x0  }
0xd3: {  	s21 =	simm.s32 $0x0;
	s15 =	simm.s32 $0x0;
	s14 =	simm.s32 $0x0  }
.LBB2_4:
.Ltmp6:
0xd4: {  	(pc) =	sbr.rel .LBB2_6-.Ltmp6, $2  }
0xd5: {  	_ =	sdelay $0x2  }
0xd6: {  	s17 =	simm.s32 $0x0;
	s21 =	simm.s32 $0x0  }
.LBB2_7:
0xd7: {  	_ =	sfence.sel $0x180000  }
0xd8: {  	[bflag:$0x0] =	sbarrier.arrive $0xFFFF  }
0xd9: {  	_ =	strace $0x90000047  }
0xda: {  	[bflag:$0x2] =	sbarrier.arrive $0xFFFF  }
0xdb: {  	p0 =	sne.s32 s1, $0x0;
	s0 =	rddreg [dreg:$0x2]  }
0xdc: {  	s0 =	sadd.s32 @!p0 $0x100000, s0  }
0xdd: {  	[sflag:s0] =	ssyncadd.tile.s32 @!p0 $0x1;
	_ =	shalt  }
.Lfunc_end2:
_tile_overlayer_lowered:
.L_overlay_start_2:
0xde: {  	(tag) =	ssettag $0x2  }
0xdf: {  	s0 =	rddreg [dreg:$0x0];
	s2 =	stileid.u32  }
0xe0: {  	s1 =	rddreg [dreg:$0x1];
	p0 =	sne.s32 s2, $0x0  }
0xe1: {  	s3 =	rddreg [dreg:$0x2];
	[bflag:$0x3] =	sbarrier.arrive $0xFFFF;
	s2 =	simm.s32 @!p0 $0x1C02  }
0xe2: {  	[timem:s3], [sflag:s2] =	dma.local @!p0 [hbm:s0], s1  }
0xe3: {  	s0 =	simm.s32 @!p0 $0x2  }
0xe4: {  	_ =	swait.ge @!p0 [sflag:s0], s1  }
0xe5: {  	s1 =	ssub.s32 @!p0 $0x0, s1;
	[sflag:s0] =	ssyncset.done @!p0 $0x0  }
0xe6: {  	[sflag:s0] =	ssyncadd.s32 @!p0 s1  }
0xe7: {  	[bflag:$0x3] =	sbarrier.arrive $0xFFFF  }
0xe8: {  	_ =	shalt  }

</sc_bundles>
